<compile_context>
chip_gen: v7x
topology: tpu7x:2x2x1
jax: 0.10.2.dev20260603
libtpu: 0.0.44.dev20260713+nightly
codegen_flags: <defaults>
</compile_context>

<pallas_src>
import functools

import jax
import jax.numpy as jnp
from jax import lax
from jax.experimental import pallas as pl
from jax.experimental.pallas import tpu as pltpu
from jax.experimental.pallas import tpu_sc as plsc

EMBED = 32
IDXW = 128
CHUNK_IR = 8


def _gather_rows(table, idx2d):
    nr = idx2d.shape[0]
    info = plsc.get_sparse_core_info()
    nw = info.num_cores * info.num_subcores
    rpw = nr // nw
    nch = rpw // CHUNK_IR

    mesh = plsc.VectorSubcoreMesh(core_axis_name="c", subcore_axis_name="s")

    @functools.partial(
        pl.kernel,
        mesh=mesh,
        compiler_params=pltpu.CompilerParams(use_tc_tiling_on_sc=False),
        out_type=jax.ShapeDtypeStruct((nr * IDXW, EMBED), jnp.float32),
        scratch_types=[
            pltpu.VMEM((CHUNK_IR, IDXW), jnp.int32),
            pltpu.VMEM((CHUNK_IR * IDXW, EMBED), jnp.float32),
            pltpu.SemaphoreType.DMA,
        ],
    )
    def k(tab_hbm, idx_hbm, out_hbm, idx_v, rows_v, sem):
        wid = lax.axis_index("s") * info.num_cores + lax.axis_index("c")
        r0 = wid * rpw

        def body(g, carry):
            base = r0 + g * CHUNK_IR
            pltpu.sync_copy(idx_hbm.at[pl.ds(base, CHUNK_IR)], idx_v)
            cps = [
                pltpu.async_copy(
                    tab_hbm.at[idx_v.at[j]],
                    rows_v.at[pl.ds(j * IDXW, IDXW)],
                    sem,
                )
                for j in range(CHUNK_IR)
            ]
            for cp in cps:
                cp.wait()
            pltpu.sync_copy(
                rows_v,
                out_hbm.at[pl.ds(base * IDXW, CHUNK_IR * IDXW)],
            )
            return carry

        lax.fori_loop(0, nch, body, 0)

    return k(table, idx2d)


def _to_row_major(wt):
    vpad = 1 << 20
    band = vpad // 4
    blkv = 2048
    wt = jnp.pad(wt, ((0, 0), (0, vpad - wt.shape[1])))

    def body(x0_ref, x1_ref, x2_ref, x3_ref, o_ref):
        o_ref[...] = jnp.concatenate(
            [jnp.swapaxes(x_ref[...], 0, 1)
             for x_ref in (x0_ref, x1_ref, x2_ref, x3_ref)],
            axis=1,
        )

    nblk = band // blkv

    def in_spec(b):
        return pl.BlockSpec((EMBED, blkv), lambda i, b=b: (0, nblk * b + i))

    return pl.pallas_call(
        body,
        grid=(nblk,),
        in_specs=[in_spec(0), in_spec(1), in_spec(2), in_spec(3)],
        out_specs=pl.BlockSpec((blkv, 128), lambda i: (i, 0)),
        out_shape=jax.ShapeDtypeStruct((band, 128), jnp.float32),
    )(wt, wt, wt, wt)


def _f16_bits(o):
    u = lax.bitcast_convert_type(o, jnp.int32)
    sign = (u >> 16) & 0x8000
    au = u & 0x7FFFFFFF
    b = au - 0x38000000
    r = b >> 13
    low = b & 0x1FFF
    rup = (low > 0x1000) | ((low == 0x1000) & ((r & 1) == 1))
    hn = r + rup.astype(jnp.int32)
    xs = jnp.abs(o) * 16777216.0
    hs = jnp.round(xs).astype(jnp.int32)
    return jnp.where(au < 0x38800000, hs, hn) | sign


def _f16_back(hb):
    e16 = (hb >> 10) & 0x1F
    mant = hb & 0x3FF
    normal = lax.bitcast_convert_type(
        ((e16 + 112) << 23) | (mant << 13), jnp.float32
    )
    sub = mant.astype(jnp.float32) * jnp.float32(5.9604645e-08)
    return jnp.where(e16 == 0, sub, normal)


def _seg_max32(a):
    n = a.shape[-1]
    lanes = lax.broadcasted_iota(jnp.int32, a.shape, len(a.shape) - 1) % 32
    m = a
    for o in (1, 2, 4, 8, 16):
        r1 = pltpu.roll(m, n - o, axis=len(a.shape) - 1)
        r2 = pltpu.roll(m, 32 - o, axis=len(a.shape) - 1)
        m = jnp.maximum(m, jnp.where(lanes < 32 - o, r1, r2))
    return m


def _dequant(rows4k):
    n = rows4k.shape[0]
    blk = 2048

    def body(x_ref, o_ref):
        w = x_ref[...]
        m = _seg_max32(jnp.abs(w))
        mc = jnp.maximum(m, 1e-8)
        rcp = 1.0 / mc
        s = mc * (1.0 / 127.0)
        q = jnp.round(w * (127.0 * rcp))
        t = s * 8193.0
        sf = t - (t - s)
        o = q * sf
        o_ref[...] = _f16_bits(o).astype(jnp.int16)

    return pl.pallas_call(
        body,
        grid=(n // blk,),
        in_specs=[pl.BlockSpec((blk, 128), lambda i: (i, 0))],
        out_specs=pl.BlockSpec((blk, 128), lambda i: (i, 0)),
        out_shape=jax.ShapeDtypeStruct((n, 128), jnp.int16),
    )(rows4k)


def kernel(input_ids, weight):
    bsz, hist = input_ids.shape
    idxp = ((input_ids & 0x3FFFF) << 2) | (input_ids >> 18)
    idx2d = idxp.reshape(-1, IDXW)
    table_lin = _to_row_major(weight.T).reshape(1 << 20, EMBED)
    rows = _gather_rows(table_lin, idx2d)
    bits = _dequant(rows.reshape(-1, 128))
    out = lax.bitcast_convert_type(bits, jnp.float16)
    return out.reshape(bsz, hist, EMBED)

# --- scband reference (transcript-rebuilt; emitter-appended) ---
"""Pipeline reference for scband-int8-embedding-2259152798358 (READ-ONLY COPY).

The authoritative reference and input builder live on the scoring server;
editing this copy changes nothing except your own understanding.
"""

import jax, jax.numpy as jnp
import numpy as np

VOCAB = 1000000
EMBED_DIM = 32
BATCH = 16384
HIST = 50


def setup_inputs(seed: int = 0) -> dict:
    key = jax.random.key(seed)
    k1, k2 = jax.random.split(key)
    input_ids = jax.random.randint(k1, (BATCH, HIST), 0, VOCAB, dtype=jnp.int32)
    weight = jax.random.normal(k2, (VOCAB, EMBED_DIM), dtype=jnp.float32)
    return {"input_ids": input_ids, "weight": weight}


def reference(input_ids, weight):
    # Per-row symmetric int8 quantization (mirrors Int8Embedding._q_per_row)
    qmax = 127.0
    w = weight.astype(jnp.float32)
    s = jnp.clip(jnp.max(jnp.abs(w), axis=1, keepdims=True), 1e-08, None) / qmax
    emb_q = jnp.clip(jnp.round(w / s), -qmax, qmax).astype(jnp.int8)
    emb_s = s.squeeze(1).astype(jnp.float16)
    # Forward: gather int8 rows + fp scales, dequantize
    flat = input_ids.reshape(-1)
    q_rows = jnp.take(emb_q, flat, axis=0)
    s_rows = jnp.take(emb_s.astype(jnp.float32), flat, axis=0)
    out = q_rows.astype(jnp.float32) * s_rows[:, None]
    out = out.astype(jnp.float16)
    return out.reshape(*input_ids.shape, EMBED_DIM)

if __name__ == "__main__":
    import jax
    _d = setup_inputs()
    print(jax.jit(kernel)(*tuple(_d.values())))

</pallas_src>

<mosaic_0001>
#map = affine_map<(d0, d1) -> (0, 0)>
module attributes {stable_mosaic.version = 14 : i64} {
  func.func @k(%arg0: i32, %arg1: i32, %arg2: memref<1048576x32xf32, #tpu.memory_space<hbm>>, %arg3: memref<6400x128xi32, #tpu.memory_space<hbm>>, %arg4: memref<819200x32xf32, #tpu.memory_space<hbm>>, %arg5: memref<8x128xi32, #tpu.memory_space<vmem>>, %arg6: memref<1024x32xf32, #tpu.memory_space<vmem>>, %arg7: memref<!tpu.dma_semaphore, #tpu.memory_space<semaphore_mem>>) attributes {dimension_semantics = [#tpu.dimension_semantics<core_parallel>, #tpu.dimension_semantics<subcore_parallel>], iteration_bounds = array<i64: 2, 16>, scalar_prefetch = 0 : i64, scratch_operands = 3 : i64, tpu.core_type = #tpu.core_type<sc_vector_subcore>, window_params = [{transform_indices = #map}, {transform_indices = #map}, {transform_indices = #map}]} {
    %mul3A = arith.constant 2 : i32
    %mul3A_0 = arith.muli %arg1, %mul3A : i32
    %add3A = arith.addi %mul3A_0, %arg0 : i32
    %mul3A_1 = arith.constant 200 : i32
    %mul3A_2 = arith.muli %add3A, %mul3A_1 : i32
    %scan3A = arith.constant 0 : i32
    %scan3A_3 = arith.constant 0 : i32
    %scan3A_4 = arith.constant 25 : i32
    %scan3A_5 = arith.addi %scan3A_3, %scan3A_4 : i32
    %scan3A_6 = arith.constant 1 : i32
    scf.for %scan3A_8 = %scan3A_3 to %scan3A_5 step %scan3A_6  : i32 {
      %mul3A_9 = arith.constant 8 : i32
      %mul3A_10 = arith.muli %scan3A_8, %mul3A_9 : i32
      %add3A_11 = arith.addi %mul3A_2, %mul3A_10 : i32
      "tpu.region"() ({
        %run_scoped3A = tpu.sem_alloc : memref<!tpu.dma_semaphore, #tpu.memory_space<semaphore_mem>>
        %dma_start3A_172 = arith.constant 0 : i32
        %dma_start3A_173 = tpu.memref_slice %arg3[%add3A_11, %dma_start3A_172] : memref<6400x128xi32, #tpu.memory_space<hbm>> -> memref<8x128xi32, #tpu.memory_space<hbm>>
        %dma_start3A_174 = arith.constant 0 : i32
        %dma_start3A_175 = tpu.memref_slice %arg3[%add3A_11, %dma_start3A_174] : memref<6400x128xi32, #tpu.memory_space<hbm>> -> memref<8x128xi32, #tpu.memory_space<hbm>>
        tpu.enqueue_dma source(%dma_start3A_175 : memref<8x128xi32, #tpu.memory_space<hbm>>) target(%arg5 : memref<8x128xi32, #tpu.memory_space<vmem>>) target_semaphore(%run_scoped3A : memref<!tpu.dma_semaphore, #tpu.memory_space<semaphore_mem>>)
        %dma_wait3A_176 = arith.constant 0 : i32
        %dma_wait3A_177 = tpu.memref_slice %arg3[%add3A_11, %dma_wait3A_176] : memref<6400x128xi32, #tpu.memory_space<hbm>> -> memref<8x128xi32, #tpu.memory_space<hbm>>
        %dma_wait3A_178 = arith.constant 0 : i32
        %dma_wait3A_179 = tpu.memref_slice %arg3[%add3A_11, %dma_wait3A_178] : memref<6400x128xi32, #tpu.memory_space<hbm>> -> memref<8x128xi32, #tpu.memory_space<hbm>>
        tpu.wait_dma2 semaphore(%run_scoped3A : memref<!tpu.dma_semaphore, #tpu.memory_space<semaphore_mem>>) src(%dma_wait3A_179 : memref<8x128xi32, #tpu.memory_space<hbm>>) dst(%arg5 : memref<8x128xi32, #tpu.memory_space<vmem>>)
        tpu.yield
      }) : () -> ()
      %dma_start3A = arith.constant 0 : i32
      %dma_start3A_12 = arith.constant 0 : i32
      %dma_start3A_13 = arith.constant 0 : i32
      %dma_start3A_14 = tpu.memref_slice %arg6[%dma_start3A_12, %dma_start3A_13] : memref<1024x32xf32, #tpu.memory_space<vmem>> -> memref<128x32xf32, #tpu.memory_space<vmem>>
      %dma_start3A_15 = arith.constant 0 : i32
      %dma_start3A_16 = tpu.memref_slice %arg5[%dma_start3A, %dma_start3A_15] : memref<8x128xi32, #tpu.memory_space<vmem>> -> memref<1x128xi32, #tpu.memory_space<vmem>>
      %dma_start3A_17 = tpu.memref_squeeze %dma_start3A_16 : memref<1x128xi32, #tpu.memory_space<vmem>> -> memref<128xi32, #tpu.memory_space<vmem>>
      %dma_start3A_18 = arith.constant 0 : i32
      %dma_start3A_19 = arith.constant 0 : i32
      %dma_start3A_20 = tpu.memref_slice %arg2[%dma_start3A_18, %dma_start3A_19] : memref<1048576x32xf32, #tpu.memory_space<hbm>> -> memref<1048576x32xf32, #tpu.memory_space<hbm>>
      tpu.enqueue_indirect_dma source(%dma_start3A_20 : memref<1048576x32xf32, #tpu.memory_space<hbm>>) target(%dma_start3A_14 : memref<128x32xf32, #tpu.memory_space<vmem>>) offsets(%dma_start3A_17 : memref<128xi32, #tpu.memory_space<vmem>>) semaphore(%arg7 : memref<!tpu.dma_semaphore, #tpu.memory_space<semaphore_mem>>)
      %dma_start3A_21 = arith.constant 1 : i32
      %dma_start3A_22 = arith.constant 128 : i32
      %dma_start3A_23 = arith.constant 0 : i32
      %dma_start3A_24 = tpu.memref_slice %arg6[%dma_start3A_22, %dma_start3A_23] : memref<1024x32xf32, #tpu.memory_space<vmem>> -> memref<128x32xf32, #tpu.memory_space<vmem>>
      %dma_start3A_25 = arith.constant 0 : i32
      %dma_start3A_26 = tpu.memref_slice %arg5[%dma_start3A_21, %dma_start3A_25] : memref<8x128xi32, #tpu.memory_space<vmem>> -> memref<1x128xi32, #tpu.memory_space<vmem>>
      %dma_start3A_27 = tpu.memref_squeeze %dma_start3A_26 : memref<1x128xi32, #tpu.memory_space<vmem>> -> memref<128xi32, #tpu.memory_space<vmem>>
      %dma_start3A_28 = arith.constant 0 : i32
      %dma_start3A_29 = arith.constant 0 : i32
      %dma_start3A_30 = tpu.memref_slice %arg2[%dma_start3A_28, %dma_start3A_29] : memref<1048576x32xf32, #tpu.memory_space<hbm>> -> memref<1048576x32xf32, #tpu.memory_space<hbm>>
      tpu.enqueue_indirect_dma source(%dma_start3A_30 : memref<1048576x32xf32, #tpu.memory_space<hbm>>) target(%dma_start3A_24 : memref<128x32xf32, #tpu.memory_space<vmem>>) offsets(%dma_start3A_27 : memref<128xi32, #tpu.memory_space<vmem>>) semaphore(%arg7 : memref<!tpu.dma_semaphore, #tpu.memory_space<semaphore_mem>>)
      %dma_start3A_31 = arith.constant 2 : i32
      %dma_start3A_32 = arith.constant 256 : i32
      %dma_start3A_33 = arith.constant 0 : i32
      %dma_start3A_34 = tpu.memref_slice %arg6[%dma_start3A_32, %dma_start3A_33] : memref<1024x32xf32, #tpu.memory_space<vmem>> -> memref<128x32xf32, #tpu.memory_space<vmem>>
      %dma_start3A_35 = arith.constant 0 : i32
      %dma_start3A_36 = tpu.memref_slice %arg5[%dma_start3A_31, %dma_start3A_35] : memref<8x128xi32, #tpu.memory_space<vmem>> -> memref<1x128xi32, #tpu.memory_space<vmem>>
      %dma_start3A_37 = tpu.memref_squeeze %dma_start3A_36 : memref<1x128xi32, #tpu.memory_space<vmem>> -> memref<128xi32, #tpu.memory_space<vmem>>
      %dma_start3A_38 = arith.constant 0 : i32
      %dma_start3A_39 = arith.constant 0 : i32
      %dma_start3A_40 = tpu.memref_slice %arg2[%dma_start3A_38, %dma_start3A_39] : memref<1048576x32xf32, #tpu.memory_space<hbm>> -> memref<1048576x32xf32, #tpu.memory_space<hbm>>
      tpu.enqueue_indirect_dma source(%dma_start3A_40 : memref<1048576x32xf32, #tpu.memory_space<hbm>>) target(%dma_start3A_34 : memref<128x32xf32, #tpu.memory_space<vmem>>) offsets(%dma_start3A_37 : memref<128xi32, #tpu.memory_space<vmem>>) semaphore(%arg7 : memref<!tpu.dma_semaphore, #tpu.memory_space<semaphore_mem>>)
      %dma_start3A_41 = arith.constant 3 : i32
      %dma_start3A_42 = arith.constant 384 : i32
      %dma_start3A_43 = arith.constant 0 : i32
      %dma_start3A_44 = tpu.memref_slice %arg6[%dma_start3A_42, %dma_start3A_43] : memref<1024x32xf32, #tpu.memory_space<vmem>> -> memref<128x32xf32, #tpu.memory_space<vmem>>
      %dma_start3A_45 = arith.constant 0 : i32
      %dma_start3A_46 = tpu.memref_slice %arg5[%dma_start3A_41, %dma_start3A_45] : memref<8x128xi32, #tpu.memory_space<vmem>> -> memref<1x128xi32, #tpu.memory_space<vmem>>
      %dma_start3A_47 = tpu.memref_squeeze %dma_start3A_46 : memref<1x128xi32, #tpu.memory_space<vmem>> -> memref<128xi32, #tpu.memory_space<vmem>>
      %dma_start3A_48 = arith.constant 0 : i32
      %dma_start3A_49 = arith.constant 0 : i32
      %dma_start3A_50 = tpu.memref_slice %arg2[%dma_start3A_48, %dma_start3A_49] : memref<1048576x32xf32, #tpu.memory_space<hbm>> -> memref<1048576x32xf32, #tpu.memory_space<hbm>>
      tpu.enqueue_indirect_dma source(%dma_start3A_50 : memref<1048576x32xf32, #tpu.memory_space<hbm>>) target(%dma_start3A_44 : memref<128x32xf32, #tpu.memory_space<vmem>>) offsets(%dma_start3A_47 : memref<128xi32, #tpu.memory_space<vmem>>) semaphore(%arg7 : memref<!tpu.dma_semaphore, #tpu.memory_space<semaphore_mem>>)
      %dma_start3A_51 = arith.constant 4 : i32
      %dma_start3A_52 = arith.constant 512 : i32
      %dma_start3A_53 = arith.constant 0 : i32
      %dma_start3A_54 = tpu.memref_slice %arg6[%dma_start3A_52, %dma_start3A_53] : memref<1024x32xf32, #tpu.memory_space<vmem>> -> memref<128x32xf32, #tpu.memory_space<vmem>>
      %dma_start3A_55 = arith.constant 0 : i32
      %dma_start3A_56 = tpu.memref_slice %arg5[%dma_start3A_51, %dma_start3A_55] : memref<8x128xi32, #tpu.memory_space<vmem>> -> memref<1x128xi32, #tpu.memory_space<vmem>>
      %dma_start3A_57 = tpu.memref_squeeze %dma_start3A_56 : memref<1x128xi32, #tpu.memory_space<vmem>> -> memref<128xi32, #tpu.memory_space<vmem>>
      %dma_start3A_58 = arith.constant 0 : i32
      %dma_start3A_59 = arith.constant 0 : i32
      %dma_start3A_60 = tpu.memref_slice %arg2[%dma_start3A_58, %dma_start3A_59] : memref<1048576x32xf32, #tpu.memory_space<hbm>> -> memref<1048576x32xf32, #tpu.memory_space<hbm>>
      tpu.enqueue_indirect_dma source(%dma_start3A_60 : memref<1048576x32xf32, #tpu.memory_space<hbm>>) target(%dma_start3A_54 : memref<128x32xf32, #tpu.memory_space<vmem>>) offsets(%dma_start3A_57 : memref<128xi32, #tpu.memory_space<vmem>>) semaphore(%arg7 : memref<!tpu.dma_semaphore, #tpu.memory_space<semaphore_mem>>)
      %dma_start3A_61 = arith.constant 5 : i32
      %dma_start3A_62 = arith.constant 640 : i32
      %dma_start3A_63 = arith.constant 0 : i32
      %dma_start3A_64 = tpu.memref_slice %arg6[%dma_start3A_62, %dma_start3A_63] : memref<1024x32xf32, #tpu.memory_space<vmem>> -> memref<128x32xf32, #tpu.memory_space<vmem>>
      %dma_start3A_65 = arith.constant 0 : i32
      %dma_start3A_66 = tpu.memref_slice %arg5[%dma_start3A_61, %dma_start3A_65] : memref<8x128xi32, #tpu.memory_space<vmem>> -> memref<1x128xi32, #tpu.memory_space<vmem>>
      %dma_start3A_67 = tpu.memref_squeeze %dma_start3A_66 : memref<1x128xi32, #tpu.memory_space<vmem>> -> memref<128xi32, #tpu.memory_space<vmem>>
      %dma_start3A_68 = arith.constant 0 : i32
      %dma_start3A_69 = arith.constant 0 : i32
      %dma_start3A_70 = tpu.memref_slice %arg2[%dma_start3A_68, %dma_start3A_69] : memref<1048576x32xf32, #tpu.memory_space<hbm>> -> memref<1048576x32xf32, #tpu.memory_space<hbm>>
      tpu.enqueue_indirect_dma source(%dma_start3A_70 : memref<1048576x32xf32, #tpu.memory_space<hbm>>) target(%dma_start3A_64 : memref<128x32xf32, #tpu.memory_space<vmem>>) offsets(%dma_start3A_67 : memref<128xi32, #tpu.memory_space<vmem>>) semaphore(%arg7 : memref<!tpu.dma_semaphore, #tpu.memory_space<semaphore_mem>>)
      %dma_start3A_71 = arith.constant 6 : i32
      %dma_start3A_72 = arith.constant 768 : i32
      %dma_start3A_73 = arith.constant 0 : i32
      %dma_start3A_74 = tpu.memref_slice %arg6[%dma_start3A_72, %dma_start3A_73] : memref<1024x32xf32, #tpu.memory_space<vmem>> -> memref<128x32xf32, #tpu.memory_space<vmem>>
      %dma_start3A_75 = arith.constant 0 : i32
      %dma_start3A_76 = tpu.memref_slice %arg5[%dma_start3A_71, %dma_start3A_75] : memref<8x128xi32, #tpu.memory_space<vmem>> -> memref<1x128xi32, #tpu.memory_space<vmem>>
      %dma_start3A_77 = tpu.memref_squeeze %dma_start3A_76 : memref<1x128xi32, #tpu.memory_space<vmem>> -> memref<128xi32, #tpu.memory_space<vmem>>
      %dma_start3A_78 = arith.constant 0 : i32
      %dma_start3A_79 = arith.constant 0 : i32
      %dma_start3A_80 = tpu.memref_slice %arg2[%dma_start3A_78, %dma_start3A_79] : memref<1048576x32xf32, #tpu.memory_space<hbm>> -> memref<1048576x32xf32, #tpu.memory_space<hbm>>
      tpu.enqueue_indirect_dma source(%dma_start3A_80 : memref<1048576x32xf32, #tpu.memory_space<hbm>>) target(%dma_start3A_74 : memref<128x32xf32, #tpu.memory_space<vmem>>) offsets(%dma_start3A_77 : memref<128xi32, #tpu.memory_space<vmem>>) semaphore(%arg7 : memref<!tpu.dma_semaphore, #tpu.memory_space<semaphore_mem>>)
      %dma_start3A_81 = arith.constant 7 : i32
      %dma_start3A_82 = arith.constant 896 : i32
      %dma_start3A_83 = arith.constant 0 : i32
      %dma_start3A_84 = tpu.memref_slice %arg6[%dma_start3A_82, %dma_start3A_83] : memref<1024x32xf32, #tpu.memory_space<vmem>> -> memref<128x32xf32, #tpu.memory_space<vmem>>
      %dma_start3A_85 = arith.constant 0 : i32
      %dma_start3A_86 = tpu.memref_slice %arg5[%dma_start3A_81, %dma_start3A_85] : memref<8x128xi32, #tpu.memory_space<vmem>> -> memref<1x128xi32, #tpu.memory_space<vmem>>
      %dma_start3A_87 = tpu.memref_squeeze %dma_start3A_86 : memref<1x128xi32, #tpu.memory_space<vmem>> -> memref<128xi32, #tpu.memory_space<vmem>>
      %dma_start3A_88 = arith.constant 0 : i32
      %dma_start3A_89 = arith.constant 0 : i32
      %dma_start3A_90 = tpu.memref_slice %arg2[%dma_start3A_88, %dma_start3A_89] : memref<1048576x32xf32, #tpu.memory_space<hbm>> -> memref<1048576x32xf32, #tpu.memory_space<hbm>>
      tpu.enqueue_indirect_dma source(%dma_start3A_90 : memref<1048576x32xf32, #tpu.memory_space<hbm>>) target(%dma_start3A_84 : memref<128x32xf32, #tpu.memory_space<vmem>>) offsets(%dma_start3A_87 : memref<128xi32, #tpu.memory_space<vmem>>) semaphore(%arg7 : memref<!tpu.dma_semaphore, #tpu.memory_space<semaphore_mem>>)
      %dma_wait3A = arith.constant 0 : i32
      %dma_wait3A_91 = arith.constant 0 : i32
      %dma_wait3A_92 = arith.constant 0 : i32
      %dma_wait3A_93 = tpu.memref_slice %arg6[%dma_wait3A_91, %dma_wait3A_92] : memref<1024x32xf32, #tpu.memory_space<vmem>> -> memref<128x32xf32, #tpu.memory_space<vmem>>
      %dma_wait3A_94 = arith.constant 0 : i32
      %dma_wait3A_95 = tpu.memref_slice %arg5[%dma_wait3A, %dma_wait3A_94] : memref<8x128xi32, #tpu.memory_space<vmem>> -> memref<1x128xi32, #tpu.memory_space<vmem>>
      %dma_wait3A_96 = tpu.memref_squeeze %dma_wait3A_95 : memref<1x128xi32, #tpu.memory_space<vmem>> -> memref<128xi32, #tpu.memory_space<vmem>>
      %dma_wait3A_97 = arith.constant 0 : i32
      %dma_wait3A_98 = arith.constant 0 : i32
      %dma_wait3A_99 = tpu.memref_slice %arg2[%dma_wait3A_97, %dma_wait3A_98] : memref<1048576x32xf32, #tpu.memory_space<hbm>> -> memref<1048576x32xf32, #tpu.memory_space<hbm>>
      tpu.wait_indirect_dma semaphore(%arg7 : memref<!tpu.dma_semaphore, #tpu.memory_space<semaphore_mem>>) src(%dma_wait3A_99 : memref<1048576x32xf32, #tpu.memory_space<hbm>>) dst(%dma_wait3A_93 : memref<128x32xf32, #tpu.memory_space<vmem>>)
      %dma_wait3A_100 = arith.constant 1 : i32
      %dma_wait3A_101 = arith.constant 128 : i32
      %dma_wait3A_102 = arith.constant 0 : i32
      %dma_wait3A_103 = tpu.memref_slice %arg6[%dma_wait3A_101, %dma_wait3A_102] : memref<1024x32xf32, #tpu.memory_space<vmem>> -> memref<128x32xf32, #tpu.memory_space<vmem>>
      %dma_wait3A_104 = arith.constant 0 : i32
      %dma_wait3A_105 = tpu.memref_slice %arg5[%dma_wait3A_100, %dma_wait3A_104] : memref<8x128xi32, #tpu.memory_space<vmem>> -> memref<1x128xi32, #tpu.memory_space<vmem>>
      %dma_wait3A_106 = tpu.memref_squeeze %dma_wait3A_105 : memref<1x128xi32, #tpu.memory_space<vmem>> -> memref<128xi32, #tpu.memory_space<vmem>>
      %dma_wait3A_107 = arith.constant 0 : i32
      %dma_wait3A_108 = arith.constant 0 : i32
      %dma_wait3A_109 = tpu.memref_slice %arg2[%dma_wait3A_107, %dma_wait3A_108] : memref<1048576x32xf32, #tpu.memory_space<hbm>> -> memref<1048576x32xf32, #tpu.memory_space<hbm>>
      tpu.wait_indirect_dma semaphore(%arg7 : memref<!tpu.dma_semaphore, #tpu.memory_space<semaphore_mem>>) src(%dma_wait3A_109 : memref<1048576x32xf32, #tpu.memory_space<hbm>>) dst(%dma_wait3A_103 : memref<128x32xf32, #tpu.memory_space<vmem>>)
      %dma_wait3A_110 = arith.constant 2 : i32
      %dma_wait3A_111 = arith.constant 256 : i32
      %dma_wait3A_112 = arith.constant 0 : i32
      %dma_wait3A_113 = tpu.memref_slice %arg6[%dma_wait3A_111, %dma_wait3A_112] : memref<1024x32xf32, #tpu.memory_space<vmem>> -> memref<128x32xf32, #tpu.memory_space<vmem>>
      %dma_wait3A_114 = arith.constant 0 : i32
      %dma_wait3A_115 = tpu.memref_slice %arg5[%dma_wait3A_110, %dma_wait3A_114] : memref<8x128xi32, #tpu.memory_space<vmem>> -> memref<1x128xi32, #tpu.memory_space<vmem>>
      %dma_wait3A_116 = tpu.memref_squeeze %dma_wait3A_115 : memref<1x128xi32, #tpu.memory_space<vmem>> -> memref<128xi32, #tpu.memory_space<vmem>>
      %dma_wait3A_117 = arith.constant 0 : i32
      %dma_wait3A_118 = arith.constant 0 : i32
      %dma_wait3A_119 = tpu.memref_slice %arg2[%dma_wait3A_117, %dma_wait3A_118] : memref<1048576x32xf32, #tpu.memory_space<hbm>> -> memref<1048576x32xf32, #tpu.memory_space<hbm>>
      tpu.wait_indirect_dma semaphore(%arg7 : memref<!tpu.dma_semaphore, #tpu.memory_space<semaphore_mem>>) src(%dma_wait3A_119 : memref<1048576x32xf32, #tpu.memory_space<hbm>>) dst(%dma_wait3A_113 : memref<128x32xf32, #tpu.memory_space<vmem>>)
      %dma_wait3A_120 = arith.constant 3 : i32
      %dma_wait3A_121 = arith.constant 384 : i32
      %dma_wait3A_122 = arith.constant 0 : i32
      %dma_wait3A_123 = tpu.memref_slice %arg6[%dma_wait3A_121, %dma_wait3A_122] : memref<1024x32xf32, #tpu.memory_space<vmem>> -> memref<128x32xf32, #tpu.memory_space<vmem>>
      %dma_wait3A_124 = arith.constant 0 : i32
      %dma_wait3A_125 = tpu.memref_slice %arg5[%dma_wait3A_120, %dma_wait3A_124] : memref<8x128xi32, #tpu.memory_space<vmem>> -> memref<1x128xi32, #tpu.memory_space<vmem>>
      %dma_wait3A_126 = tpu.memref_squeeze %dma_wait3A_125 : memref<1x128xi32, #tpu.memory_space<vmem>> -> memref<128xi32, #tpu.memory_space<vmem>>
      %dma_wait3A_127 = arith.constant 0 : i32
      %dma_wait3A_128 = arith.constant 0 : i32
      %dma_wait3A_129 = tpu.memref_slice %arg2[%dma_wait3A_127, %dma_wait3A_128] : memref<1048576x32xf32, #tpu.memory_space<hbm>> -> memref<1048576x32xf32, #tpu.memory_space<hbm>>
      tpu.wait_indirect_dma semaphore(%arg7 : memref<!tpu.dma_semaphore, #tpu.memory_space<semaphore_mem>>) src(%dma_wait3A_129 : memref<1048576x32xf32, #tpu.memory_space<hbm>>) dst(%dma_wait3A_123 : memref<128x32xf32, #tpu.memory_space<vmem>>)
      %dma_wait3A_130 = arith.constant 4 : i32
      %dma_wait3A_131 = arith.constant 512 : i32
      %dma_wait3A_132 = arith.constant 0 : i32
      %dma_wait3A_133 = tpu.memref_slice %arg6[%dma_wait3A_131, %dma_wait3A_132] : memref<1024x32xf32, #tpu.memory_space<vmem>> -> memref<128x32xf32, #tpu.memory_space<vmem>>
      %dma_wait3A_134 = arith.constant 0 : i32
      %dma_wait3A_135 = tpu.memref_slice %arg5[%dma_wait3A_130, %dma_wait3A_134] : memref<8x128xi32, #tpu.memory_space<vmem>> -> memref<1x128xi32, #tpu.memory_space<vmem>>
      %dma_wait3A_136 = tpu.memref_squeeze %dma_wait3A_135 : memref<1x128xi32, #tpu.memory_space<vmem>> -> memref<128xi32, #tpu.memory_space<vmem>>
      %dma_wait3A_137 = arith.constant 0 : i32
      %dma_wait3A_138 = arith.constant 0 : i32
      %dma_wait3A_139 = tpu.memref_slice %arg2[%dma_wait3A_137, %dma_wait3A_138] : memref<1048576x32xf32, #tpu.memory_space<hbm>> -> memref<1048576x32xf32, #tpu.memory_space<hbm>>
      tpu.wait_indirect_dma semaphore(%arg7 : memref<!tpu.dma_semaphore, #tpu.memory_space<semaphore_mem>>) src(%dma_wait3A_139 : memref<1048576x32xf32, #tpu.memory_space<hbm>>) dst(%dma_wait3A_133 : memref<128x32xf32, #tpu.memory_space<vmem>>)
      %dma_wait3A_140 = arith.constant 5 : i32
      %dma_wait3A_141 = arith.constant 640 : i32
      %dma_wait3A_142 = arith.constant 0 : i32
      %dma_wait3A_143 = tpu.memref_slice %arg6[%dma_wait3A_141, %dma_wait3A_142] : memref<1024x32xf32, #tpu.memory_space<vmem>> -> memref<128x32xf32, #tpu.memory_space<vmem>>
      %dma_wait3A_144 = arith.constant 0 : i32
      %dma_wait3A_145 = tpu.memref_slice %arg5[%dma_wait3A_140, %dma_wait3A_144] : memref<8x128xi32, #tpu.memory_space<vmem>> -> memref<1x128xi32, #tpu.memory_space<vmem>>
      %dma_wait3A_146 = tpu.memref_squeeze %dma_wait3A_145 : memref<1x128xi32, #tpu.memory_space<vmem>> -> memref<128xi32, #tpu.memory_space<vmem>>
      %dma_wait3A_147 = arith.constant 0 : i32
      %dma_wait3A_148 = arith.constant 0 : i32
      %dma_wait3A_149 = tpu.memref_slice %arg2[%dma_wait3A_147, %dma_wait3A_148] : memref<1048576x32xf32, #tpu.memory_space<hbm>> -> memref<1048576x32xf32, #tpu.memory_space<hbm>>
      tpu.wait_indirect_dma semaphore(%arg7 : memref<!tpu.dma_semaphore, #tpu.memory_space<semaphore_mem>>) src(%dma_wait3A_149 : memref<1048576x32xf32, #tpu.memory_space<hbm>>) dst(%dma_wait3A_143 : memref<128x32xf32, #tpu.memory_space<vmem>>)
      %dma_wait3A_150 = arith.constant 6 : i32
      %dma_wait3A_151 = arith.constant 768 : i32
      %dma_wait3A_152 = arith.constant 0 : i32
      %dma_wait3A_153 = tpu.memref_slice %arg6[%dma_wait3A_151, %dma_wait3A_152] : memref<1024x32xf32, #tpu.memory_space<vmem>> -> memref<128x32xf32, #tpu.memory_space<vmem>>
      %dma_wait3A_154 = arith.constant 0 : i32
      %dma_wait3A_155 = tpu.memref_slice %arg5[%dma_wait3A_150, %dma_wait3A_154] : memref<8x128xi32, #tpu.memory_space<vmem>> -> memref<1x128xi32, #tpu.memory_space<vmem>>
      %dma_wait3A_156 = tpu.memref_squeeze %dma_wait3A_155 : memref<1x128xi32, #tpu.memory_space<vmem>> -> memref<128xi32, #tpu.memory_space<vmem>>
      %dma_wait3A_157 = arith.constant 0 : i32
      %dma_wait3A_158 = arith.constant 0 : i32
      %dma_wait3A_159 = tpu.memref_slice %arg2[%dma_wait3A_157, %dma_wait3A_158] : memref<1048576x32xf32, #tpu.memory_space<hbm>> -> memref<1048576x32xf32, #tpu.memory_space<hbm>>
      tpu.wait_indirect_dma semaphore(%arg7 : memref<!tpu.dma_semaphore, #tpu.memory_space<semaphore_mem>>) src(%dma_wait3A_159 : memref<1048576x32xf32, #tpu.memory_space<hbm>>) dst(%dma_wait3A_153 : memref<128x32xf32, #tpu.memory_space<vmem>>)
      %dma_wait3A_160 = arith.constant 7 : i32
      %dma_wait3A_161 = arith.constant 896 : i32
      %dma_wait3A_162 = arith.constant 0 : i32
      %dma_wait3A_163 = tpu.memref_slice %arg6[%dma_wait3A_161, %dma_wait3A_162] : memref<1024x32xf32, #tpu.memory_space<vmem>> -> memref<128x32xf32, #tpu.memory_space<vmem>>
      %dma_wait3A_164 = arith.constant 0 : i32
      %dma_wait3A_165 = tpu.memref_slice %arg5[%dma_wait3A_160, %dma_wait3A_164] : memref<8x128xi32, #tpu.memory_space<vmem>> -> memref<1x128xi32, #tpu.memory_space<vmem>>
      %dma_wait3A_166 = tpu.memref_squeeze %dma_wait3A_165 : memref<1x128xi32, #tpu.memory_space<vmem>> -> memref<128xi32, #tpu.memory_space<vmem>>
      %dma_wait3A_167 = arith.constant 0 : i32
      %dma_wait3A_168 = arith.constant 0 : i32
      %dma_wait3A_169 = tpu.memref_slice %arg2[%dma_wait3A_167, %dma_wait3A_168] : memref<1048576x32xf32, #tpu.memory_space<hbm>> -> memref<1048576x32xf32, #tpu.memory_space<hbm>>
      tpu.wait_indirect_dma semaphore(%arg7 : memref<!tpu.dma_semaphore, #tpu.memory_space<semaphore_mem>>) src(%dma_wait3A_169 : memref<1048576x32xf32, #tpu.memory_space<hbm>>) dst(%dma_wait3A_163 : memref<128x32xf32, #tpu.memory_space<vmem>>)
      %mul3A_170 = arith.constant 128 : i32
      %mul3A_171 = arith.muli %add3A_11, %mul3A_170 : i32
      "tpu.region"() ({
        %run_scoped3A = tpu.sem_alloc : memref<!tpu.dma_semaphore, #tpu.memory_space<semaphore_mem>>
        %dma_start3A_172 = arith.constant 0 : i32
        %dma_start3A_173 = tpu.memref_slice %arg4[%mul3A_171, %dma_start3A_172] : memref<819200x32xf32, #tpu.memory_space<hbm>> -> memref<1024x32xf32, #tpu.memory_space<hbm>>
        %dma_start3A_174 = arith.constant 0 : i32
        %dma_start3A_175 = tpu.memref_slice %arg4[%mul3A_171, %dma_start3A_174] : memref<819200x32xf32, #tpu.memory_space<hbm>> -> memref<1024x32xf32, #tpu.memory_space<hbm>>
        tpu.enqueue_dma source(%arg6 : memref<1024x32xf32, #tpu.memory_space<vmem>>) target(%dma_start3A_175 : memref<1024x32xf32, #tpu.memory_space<hbm>>) target_semaphore(%run_scoped3A : memref<!tpu.dma_semaphore, #tpu.memory_space<semaphore_mem>>)
        %dma_wait3A_176 = arith.constant 0 : i32
        %dma_wait3A_177 = tpu.memref_slice %arg4[%mul3A_171, %dma_wait3A_176] : memref<819200x32xf32, #tpu.memory_space<hbm>> -> memref<1024x32xf32, #tpu.memory_space<hbm>>
        %dma_wait3A_178 = arith.constant 0 : i32
        %dma_wait3A_179 = tpu.memref_slice %arg4[%mul3A_171, %dma_wait3A_178] : memref<819200x32xf32, #tpu.memory_space<hbm>> -> memref<1024x32xf32, #tpu.memory_space<hbm>>
        tpu.wait_dma2 semaphore(%run_scoped3A : memref<!tpu.dma_semaphore, #tpu.memory_space<semaphore_mem>>) src(%arg6 : memref<1024x32xf32, #tpu.memory_space<vmem>>) dst(%dma_wait3A_179 : memref<1024x32xf32, #tpu.memory_space<hbm>>)
        tpu.yield
      }) : () -> ()
    }
    %scan3A_7 = arith.constant 25 : i32
    return
  }
}

module attributes {stable_mosaic.version = 14 : i64} {
  func.func @body(%arg0: i32, %arg1: memref<32x2048xf32, #tpu.memory_space<vmem>>, %arg2: memref<32x2048xf32, #tpu.memory_space<vmem>>, %arg3: memref<32x2048xf32, #tpu.memory_space<vmem>>, %arg4: memref<32x2048xf32, #tpu.memory_space<vmem>>, %arg5: memref<2048x128xf32, #tpu.memory_space<vmem>>) attributes {dimension_semantics = [#tpu.dimension_semantics<arbitrary>], iteration_bounds = array<i64: 128>, scalar_prefetch = 0 : i64, scratch_operands = 0 : i64, tpu.core_type = #tpu.core_type<tc>, window_params = [{transform_indices = @transform_0, window_bounds = array<i64: 32, 2048>}, {transform_indices = @transform_1, window_bounds = array<i64: 32, 2048>}, {transform_indices = @transform_2, window_bounds = array<i64: 32, 2048>}, {transform_indices = @transform_3, window_bounds = array<i64: 32, 2048>}, {transform_indices = @transform_4, window_bounds = array<i64: 2048, 128>}]} {
    %get3A = arith.constant 0 : index
    %get3A_0 = arith.constant 0 : index
    %get3A_1 = vector.load %arg1[%get3A, %get3A_0] : memref<32x2048xf32, #tpu.memory_space<vmem>>, vector<32x2048xf32>
    %transpose3A = tpu.transpose %get3A_1, [1, 0] : vector<32x2048xf32> -> vector<2048x32xf32>
    %get3A_2 = arith.constant 0 : index
    %get3A_3 = arith.constant 0 : index
    %get3A_4 = vector.load %arg2[%get3A_2, %get3A_3] : memref<32x2048xf32, #tpu.memory_space<vmem>>, vector<32x2048xf32>
    %transpose3A_5 = tpu.transpose %get3A_4, [1, 0] : vector<32x2048xf32> -> vector<2048x32xf32>
    %get3A_6 = arith.constant 0 : index
    %get3A_7 = arith.constant 0 : index
    %get3A_8 = vector.load %arg3[%get3A_6, %get3A_7] : memref<32x2048xf32, #tpu.memory_space<vmem>>, vector<32x2048xf32>
    %transpose3A_9 = tpu.transpose %get3A_8, [1, 0] : vector<32x2048xf32> -> vector<2048x32xf32>
    %get3A_10 = arith.constant 0 : index
    %get3A_11 = arith.constant 0 : index
    %get3A_12 = vector.load %arg4[%get3A_10, %get3A_11] : memref<32x2048xf32, #tpu.memory_space<vmem>>, vector<32x2048xf32>
    %transpose3A_13 = tpu.transpose %get3A_12, [1, 0] : vector<32x2048xf32> -> vector<2048x32xf32>
    %concatenate3A = tpu.concatenate %transpose3A, %transpose3A_5, %transpose3A_9, %transpose3A_13 in 1 : vector<2048x32xf32>, vector<2048x32xf32>, vector<2048x32xf32>, vector<2048x32xf32> -> vector<2048x128xf32>
    %swap3A = arith.constant 0 : index
    %swap3A_14 = arith.constant 0 : index
    %swap3A_15 = vector.load %arg5[%swap3A, %swap3A_14] : memref<2048x128xf32, #tpu.memory_space<vmem>>, vector<2048x128xf32>
    tpu.vector_store %arg5[%swap3A, %swap3A_14], %concatenate3A {strides = array<i32>} : memref<2048x128xf32, #tpu.memory_space<vmem>>, vector<2048x128xf32>,
    return
  }
  func.func @transform_0(%arg0: i32) -> (i32, i32) {
    %add3A = arith.constant 0 : i32
    %add3A_0 = arith.addi %add3A, %arg0 : i32
    %c0_i32 = arith.constant 0 : i32
    %c0_i32_1 = arith.constant 0 : i32
    return %c0_i32, %add3A_0 : i32, i32
  }
  func.func @transform_1(%arg0: i32) -> (i32, i32) {
    %add3A = arith.constant 128 : i32
    %add3A_0 = arith.addi %add3A, %arg0 : i32
    %c0_i32 = arith.constant 0 : i32
    %c0_i32_1 = arith.constant 0 : i32
    return %c0_i32, %add3A_0 : i32, i32
  }
  func.func @transform_2(%arg0: i32) -> (i32, i32) {
    %add3A = arith.constant 256 : i32
    %add3A_0 = arith.addi %add3A, %arg0 : i32
    %c0_i32 = arith.constant 0 : i32
    %c0_i32_1 = arith.constant 0 : i32
    return %c0_i32, %add3A_0 : i32, i32
  }
  func.func @transform_3(%arg0: i32) -> (i32, i32) {
    %add3A = arith.constant 384 : i32
    %add3A_0 = arith.addi %add3A, %arg0 : i32
    %c0_i32 = arith.constant 0 : i32
    %c0_i32_1 = arith.constant 0 : i32
    return %c0_i32, %add3A_0 : i32, i32
  }
  func.func @transform_4(%arg0: i32) -> (i32, i32) {
    %c0_i32 = arith.constant 0 : i32
    %c0_i32_0 = arith.constant 0 : i32
    return %arg0, %c0_i32 : i32, i32
  }
}

module attributes {stable_mosaic.version = 14 : i64} {
  func.func @body(%arg0: i32, %arg1: memref<2048x128xf32, #tpu.memory_space<vmem>>, %arg2: memref<2048x128xi16, #tpu.memory_space<vmem>>) attributes {dimension_semantics = [#tpu.dimension_semantics<arbitrary>], iteration_bounds = array<i64: 100>, scalar_prefetch = 0 : i64, scratch_operands = 0 : i64, tpu.core_type = #tpu.core_type<tc>, window_params = [{transform_indices = @transform_0, window_bounds = array<i64: 2048, 128>}, {transform_indices = @transform_1, window_bounds = array<i64: 2048, 128>}]} {
    %get3A = arith.constant 0 : index
    %get3A_0 = arith.constant 0 : index
    %get3A_1 = vector.load %arg1[%get3A, %get3A_0] : memref<2048x128xf32, #tpu.memory_space<vmem>>, vector<2048x128xf32>
    %abs3A = math.absf %get3A_1 : vector<2048x128xf32>
    %iota3A = tpu.iota {dimensions = array<i32: 1>} : vector<2048x128xi32>
    %jit3A = arith.constant 32 : i32
    %eq3A = arith.constant 0 : i32
    %eq3A_2 = arith.cmpi eq, %jit3A, %eq3A : i32
    %jit3A_3 = arith.constant 1 : i32
    %select_n3A = arith.select %eq3A_2, %jit3A_3, %jit3A : i32
    %rem3A = vector.broadcast %select_n3A : i32 to vector<2048x128xi32>
    %rem3A_4 = arith.remsi %iota3A, %rem3A : vector<2048x128xi32>
    %ne3A = arith.constant 0 : i32
    %ne3A_5 = vector.broadcast %ne3A : i32 to vector<2048x128xi32>
    %ne3A_6 = arith.cmpi ne, %rem3A_4, %ne3A_5 : vector<2048x128xi32>
    %lt3A = arith.constant 0 : i32
    %lt3A_7 = vector.broadcast %lt3A : i32 to vector<2048x128xi32>
    %lt3A_8 = arith.cmpi slt, %rem3A_4, %lt3A_7 : vector<2048x128xi32>
    %lt3A_9 = arith.constant 0 : i32
    %lt3A_10 = arith.cmpi slt, %select_n3A, %lt3A_9 : i32
    %ne3A_11 = vector.broadcast %lt3A_10 : i1 to vector<2048x128xi1>
    %ne3A_12 = vector.broadcast %ne3A_11 : vector<2048x128xi1> to vector<2048x128xi1>
    %ne3A_13 = arith.xori %lt3A_8, %ne3A_12 : vector<2048x128xi1>
    %and3A = arith.andi %ne3A_13, %ne3A_6 : vector<2048x128xi1>
    %add3A = vector.broadcast %select_n3A : i32 to vector<2048x128xi32>
    %add3A_14 = arith.addi %rem3A_4, %add3A : vector<2048x128xi32>
    %select_n3A_15 = arith.select %and3A, %add3A_14, %rem3A_4 : vector<2048x128xi1>, vector<2048x128xi32>
    %roll3A = arith.constant 127 : i32
    %roll3A_16 = tpu.dynamic_rotate %abs3A by %roll3A dim 1 : vector<2048x128xf32>, i32 -> vector<2048x128xf32>
    %roll3A_17 = arith.constant 31 : i32
    %roll3A_18 = tpu.dynamic_rotate %abs3A by %roll3A_17 dim 1 : vector<2048x128xf32>, i32 -> vector<2048x128xf32>
    %lt3A_19 = arith.constant 31 : i32
    %lt3A_20 = vector.broadcast %lt3A_19 : i32 to vector<2048x128xi32>
    %lt3A_21 = arith.cmpi slt, %select_n3A_15, %lt3A_20 : vector<2048x128xi32>
    %select_n3A_22 = arith.select %lt3A_21, %roll3A_16, %roll3A_18 : vector<2048x128xi1>, vector<2048x128xf32>
    %max3A = arith.maximumf %abs3A, %select_n3A_22 : vector<2048x128xf32>
    %roll3A_23 = arith.constant 126 : i32
    %roll3A_24 = tpu.dynamic_rotate %max3A by %roll3A_23 dim 1 : vector<2048x128xf32>, i32 -> vector<2048x128xf32>
    %roll3A_25 = arith.constant 30 : i32
    %roll3A_26 = tpu.dynamic_rotate %max3A by %roll3A_25 dim 1 : vector<2048x128xf32>, i32 -> vector<2048x128xf32>
    %lt3A_27 = arith.constant 30 : i32
    %lt3A_28 = vector.broadcast %lt3A_27 : i32 to vector<2048x128xi32>
    %lt3A_29 = arith.cmpi slt, %select_n3A_15, %lt3A_28 : vector<2048x128xi32>
    %select_n3A_30 = arith.select %lt3A_29, %roll3A_24, %roll3A_26 : vector<2048x128xi1>, vector<2048x128xf32>
    %max3A_31 = arith.maximumf %max3A, %select_n3A_30 : vector<2048x128xf32>
    %roll3A_32 = arith.constant 124 : i32
    %roll3A_33 = tpu.dynamic_rotate %max3A_31 by %roll3A_32 dim 1 : vector<2048x128xf32>, i32 -> vector<2048x128xf32>
    %roll3A_34 = arith.constant 28 : i32
    %roll3A_35 = tpu.dynamic_rotate %max3A_31 by %roll3A_34 dim 1 : vector<2048x128xf32>, i32 -> vector<2048x128xf32>
    %lt3A_36 = arith.constant 28 : i32
    %lt3A_37 = vector.broadcast %lt3A_36 : i32 to vector<2048x128xi32>
    %lt3A_38 = arith.cmpi slt, %select_n3A_15, %lt3A_37 : vector<2048x128xi32>
    %select_n3A_39 = arith.select %lt3A_38, %roll3A_33, %roll3A_35 : vector<2048x128xi1>, vector<2048x128xf32>
    %max3A_40 = arith.maximumf %max3A_31, %select_n3A_39 : vector<2048x128xf32>
    %roll3A_41 = arith.constant 120 : i32
    %roll3A_42 = tpu.dynamic_rotate %max3A_40 by %roll3A_41 dim 1 : vector<2048x128xf32>, i32 -> vector<2048x128xf32>
    %roll3A_43 = arith.constant 24 : i32
    %roll3A_44 = tpu.dynamic_rotate %max3A_40 by %roll3A_43 dim 1 : vector<2048x128xf32>, i32 -> vector<2048x128xf32>
    %lt3A_45 = arith.constant 24 : i32
    %lt3A_46 = vector.broadcast %lt3A_45 : i32 to vector<2048x128xi32>
    %lt3A_47 = arith.cmpi slt, %select_n3A_15, %lt3A_46 : vector<2048x128xi32>
    %select_n3A_48 = arith.select %lt3A_47, %roll3A_42, %roll3A_44 : vector<2048x128xi1>, vector<2048x128xf32>
    %max3A_49 = arith.maximumf %max3A_40, %select_n3A_48 : vector<2048x128xf32>
    %roll3A_50 = arith.constant 112 : i32
    %roll3A_51 = tpu.dynamic_rotate %max3A_49 by %roll3A_50 dim 1 : vector<2048x128xf32>, i32 -> vector<2048x128xf32>
    %roll3A_52 = arith.constant 16 : i32
    %roll3A_53 = tpu.dynamic_rotate %max3A_49 by %roll3A_52 dim 1 : vector<2048x128xf32>, i32 -> vector<2048x128xf32>
    %lt3A_54 = arith.constant 16 : i32
    %lt3A_55 = vector.broadcast %lt3A_54 : i32 to vector<2048x128xi32>
    %lt3A_56 = arith.cmpi slt, %select_n3A_15, %lt3A_55 : vector<2048x128xi32>
    %select_n3A_57 = arith.select %lt3A_56, %roll3A_51, %roll3A_53 : vector<2048x128xi1>, vector<2048x128xf32>
    %max3A_58 = arith.maximumf %max3A_49, %select_n3A_57 : vector<2048x128xf32>
    %max3A_59 = arith.constant 9.99999993E-9 : f32
    %max3A_60 = vector.broadcast %max3A_59 : f32 to vector<2048x128xf32>
    %max3A_61 = arith.maximumf %max3A_58, %max3A_60 : vector<2048x128xf32>
    %div3A = arith.constant 1.000000e+00 : f32
    %div3A_62 = vector.broadcast %div3A : f32 to vector<2048x128xf32>
    %div3A_63 = arith.divf %div3A_62, %max3A_61 : vector<2048x128xf32>
    %mul3A = arith.constant 0.00787401571 : f32
    %mul3A_64 = vector.broadcast %mul3A : f32 to vector<2048x128xf32>
    %mul3A_65 = arith.mulf %max3A_61, %mul3A_64 : vector<2048x128xf32>
    %mul3A_66 = arith.constant 1.270000e+02 : f32
    %mul3A_67 = vector.broadcast %mul3A_66 : f32 to vector<2048x128xf32>
    %mul3A_68 = arith.mulf %mul3A_67, %div3A_63 : vector<2048x128xf32>
    %mul3A_69 = arith.mulf %get3A_1, %mul3A_68 : vector<2048x128xf32>
    %round3A = math.roundeven %mul3A_69 : vector<2048x128xf32>
    %mul3A_70 = arith.constant 8.193000e+03 : f32
    %mul3A_71 = vector.broadcast %mul3A_70 : f32 to vector<2048x128xf32>
    %mul3A_72 = arith.mulf %mul3A_65, %mul3A_71 : vector<2048x128xf32>
    %sub3A = arith.subf %mul3A_72, %mul3A_65 : vector<2048x128xf32>
    %sub3A_73 = arith.subf %mul3A_72, %sub3A : vector<2048x128xf32>
    %mul3A_74 = arith.mulf %round3A, %sub3A_73 : vector<2048x128xf32>
    %bitcast_convert_type3A = tpu.bitcast %mul3A_74 : vector<2048x128xf32> -> vector<2048x128xi32>
    %shift_right_arithmetic3A = arith.constant 16 : i32
    %shift_right_arithmetic3A_75 = vector.broadcast %shift_right_arithmetic3A : i32 to vector<2048x128xi32>
    %shift_right_arithmetic3A_76 = arith.shrsi %bitcast_convert_type3A, %shift_right_arithmetic3A_75 : vector<2048x128xi32>
    %and3A_77 = arith.constant 32768 : i32
    %and3A_78 = vector.broadcast %and3A_77 : i32 to vector<2048x128xi32>
    %and3A_79 = arith.andi %shift_right_arithmetic3A_76, %and3A_78 : vector<2048x128xi32>
    %and3A_80 = arith.constant 2147483647 : i32
    %and3A_81 = vector.broadcast %and3A_80 : i32 to vector<2048x128xi32>
    %and3A_82 = arith.andi %bitcast_convert_type3A, %and3A_81 : vector<2048x128xi32>
    %sub3A_83 = arith.constant 939524096 : i32
    %sub3A_84 = vector.broadcast %sub3A_83 : i32 to vector<2048x128xi32>
    %sub3A_85 = arith.subi %and3A_82, %sub3A_84 : vector<2048x128xi32>
    %shift_right_arithmetic3A_86 = arith.constant 13 : i32
    %shift_right_arithmetic3A_87 = vector.broadcast %shift_right_arithmetic3A_86 : i32 to vector<2048x128xi32>
    %shift_right_arithmetic3A_88 = arith.shrsi %sub3A_85, %shift_right_arithmetic3A_87 : vector<2048x128xi32>
    %and3A_89 = arith.constant 8191 : i32
    %and3A_90 = vector.broadcast %and3A_89 : i32 to vector<2048x128xi32>
    %and3A_91 = arith.andi %sub3A_85, %and3A_90 : vector<2048x128xi32>
    %gt3A = arith.constant 4096 : i32
    %gt3A_92 = vector.broadcast %gt3A : i32 to vector<2048x128xi32>
    %gt3A_93 = arith.cmpi sgt, %and3A_91, %gt3A_92 : vector<2048x128xi32>
    %eq3A_94 = arith.constant 4096 : i32
    %eq3A_95 = vector.broadcast %eq3A_94 : i32 to vector<2048x128xi32>
    %eq3A_96 = arith.cmpi eq, %and3A_91, %eq3A_95 : vector<2048x128xi32>
    %and3A_97 = arith.constant 1 : i32
    %and3A_98 = vector.broadcast %and3A_97 : i32 to vector<2048x128xi32>
    %and3A_99 = arith.andi %shift_right_arithmetic3A_88, %and3A_98 : vector<2048x128xi32>
    %eq3A_100 = arith.constant 1 : i32
    %eq3A_101 = vector.broadcast %eq3A_100 : i32 to vector<2048x128xi32>
    %eq3A_102 = arith.cmpi eq, %and3A_99, %eq3A_101 : vector<2048x128xi32>
    %and3A_103 = arith.andi %eq3A_96, %eq3A_102 : vector<2048x128xi1>
    %or3A = arith.ori %gt3A_93, %and3A_103 : vector<2048x128xi1>
    %convert_element_type3A = arith.extui %or3A : vector<2048x128xi1> to vector<2048x128xi32>
    %add3A_104 = arith.addi %shift_right_arithmetic3A_88, %convert_element_type3A : vector<2048x128xi32>
    %abs3A_105 = math.absf %mul3A_74 : vector<2048x128xf32>
    %mul3A_106 = arith.constant 0x4B800000 : f32
    %mul3A_107 = vector.broadcast %mul3A_106 : f32 to vector<2048x128xf32>
    %mul3A_108 = arith.mulf %abs3A_105, %mul3A_107 : vector<2048x128xf32>
    %round3A_109 = math.roundeven %mul3A_108 : vector<2048x128xf32>
    %convert_element_type3A_110 = arith.fptosi %round3A_109 : vector<2048x128xf32> to vector<2048x128xi32>
    %lt3A_111 = arith.constant 947912704 : i32
    %lt3A_112 = vector.broadcast %lt3A_111 : i32 to vector<2048x128xi32>
    %lt3A_113 = arith.cmpi slt, %and3A_82, %lt3A_112 : vector<2048x128xi32>
    %select_n3A_114 = arith.select %lt3A_113, %convert_element_type3A_110, %add3A_104 : vector<2048x128xi1>, vector<2048x128xi32>
    %or3A_115 = arith.ori %select_n3A_114, %and3A_79 : vector<2048x128xi32>
    %convert_element_type3A_116 = arith.trunci %or3A_115 : vector<2048x128xi32> to vector<2048x128xi16>
    %swap3A = arith.constant 0 : index
    %swap3A_117 = arith.constant 0 : index
    %swap3A_118 = vector.load %arg2[%swap3A, %swap3A_117] : memref<2048x128xi16, #tpu.memory_space<vmem>>, vector<2048x128xi16>
    tpu.vector_store %arg2[%swap3A, %swap3A_117], %convert_element_type3A_116 {strides = array<i32>} : memref<2048x128xi16, #tpu.memory_space<vmem>>, vector<2048x128xi16>,
    return
  }
  func.func @transform_0(%arg0: i32) -> (i32, i32) {
    %c0_i32 = arith.constant 0 : i32
    %c0_i32_0 = arith.constant 0 : i32
    return %arg0, %c0_i32 : i32, i32
  }
  func.func @transform_1(%arg0: i32) -> (i32, i32) {
    %c0_i32 = arith.constant 0 : i32
    %c0_i32_0 = arith.constant 0 : i32
    return %arg0, %c0_i32 : i32, i32
  }
}

</mosaic_0001>

<sc_bundles>
// kernel: kernel.5.cloned.1.call-start
scs
__scs_entry_jumppad:
0x0: {  	(pc) =	sbr.rel $0x88, $3  }
0x1: {  	(tag) =	ssettag $0x0;
	lr =	simm.s32 $0x1  }
0x2: {  	[smem:$0x3F9F] =	sst lr;
	_ =	strace $0xD0000000  }
0x3: {  	_ = 	snop  }
0x4: {  	_ = 	snop  }
0x5: {  	_ = 	snop  }
0x6: {  	_ = 	snop  }
0x7: {  	_ = 	snop  }
__scs_overlays_trampoline_lowered:
0x8: {  	[smem:$0x3FAE] =	sst s0  }
0x9: {  	[smem:$0x3FAF] =	sst s1  }
0xa: {  	[smem:$0x3FB0] =	sst s2  }
0xb: {  	[smem:$0x3FB1] =	sst s3  }
0xc: {  	[smem:$0x3FB2] =	sst s4  }
0xd: {  	[smem:$0x3FB3] =	sst s5  }
0xe: {  	[smem:$0x3FB4] =	sst s6  }
0xf: {  	[smem:$0x3FB5] =	sst s7  }
0x10: {  	[smem:$0x3FB6] =	sst s8  }
0x11: {  	[smem:$0x3FB7] =	sst s9;
	s0 =	simm.s32 @!p0 $0x0  }
0x12: {  	s1 =	sld [smem:$0x3F9D];
	s0 =	simm.s32 @p0 $0x1  }
0x13: {  	[smem:$0x3FB8] =	sst s0;
	s0 =	simm.s32 @!p1 $0x0  }
0x14: {  	s2 =	sld [smem:$0x3F9C];
	s0 =	simm.s32 @p1 $0x1  }
0x15: {  	[smem:$0x3FB9] =	sst s0;
	s0 =	simm.s32 @!p2 $0x0  }
0x16: {  	s3 =	sld [smem:$0x3FDB];
	s0 =	simm.s32 @p2 $0x1  }
0x17: {  	s4 =	simm.s32 $0x1BF5;
	[smem:$0x3FBB] =	sst s0  }
0x18: {  	s0 =	sld [smem:$0x3F9E];
	_ =	swait.ge [sflag:s4], $0x0  }
0x19: {  	s7 =	sld [smem:$0x3F9F]  }
0x1a: {  	s8 =	sadd.s32 $0xFFFFE003, lr  }
0x1b: {  	s9 =	sadd.s32 $0xFFFFFEF7, lr;
	s5 =	simm.s32 $0xFFFFFFFF;
	p2 =	slt.u32 s8, $0xFFFFF086  }
0x1c: {  	p1 =	slt.u32 s9, $0xF7A;
	s5 =	simm.s32 @!p2 $0x0  }
0x1d: {  	s5 =	simm.s32 @p1 $0x1;
	p0 =	seq.s32 s7, s2  }
0x1e: {  	s7 =	smul.u32 @!p0 $0xF7A, s2;
	p2 =	seq.s32 @!p0 s5, $0x0  }
0x1f: {  	s9 =	smul.u32 $0xF7A, s1;
	s8 =	simm.s32 @!p0 $0x1BF5;
	p2 =	por !p2, p0  }
0x20: {  	[sflag:s8] =	ssyncset.s32 @!p0 $0xFFFFF086;
	s6 =	sadd.s32 @!p0 s3, s7;
	s7 =	simm.s32 @!p0 $0x108  }
0x21: {  	s3 =	sadd.s32 s3, s9;
	s6 =	sadd.s32 @!p0 $0x88, s6;
	s7 =	simm.s32 @p2 $0x1082  }
0x22: {  	[simem:s7], [sflag:s8] =	dma.local @!p0 [hbm:s6], $0xF7A  }
0x23: {  	s9 =	sor.u32 $0xD0000000, s2;
	s6 =	simm.s32 $0x108;
	_ =	swait.ge @!p0 [sflag:s8], $0x0  }
0x24: {  	s3 =	sadd.s32 $0x88, s3;
	s6 =	simm.s32 @!p1 $0x1082;
	[sflag:s4] =	ssyncset.s32 $0xFFFFF086  }
0x25: {  	[simem:s6], [sflag:s4] =	dma.local [hbm:s3], $0xF7A  }
0x26: {  	[smem:$0x3F9F] =	sst s1;
	(tag) =	ssettag s2;
	_ =	strace s9  }
0x27: {  	s1 =	sld [smem:$0x3FAF]  }
0x28: {  	s2 =	sld [smem:$0x3FB0]  }
0x29: {  	s4 =	sld [smem:$0x3FB2]  }
0x2a: {  	p0 =	seq.s32 s5, $0x0;
	s5 =	sld [smem:$0x3FB3]  }
0x2b: {  	s6 =	sld [smem:$0x3FB4]  }
0x2c: {  	s7 =	sld [smem:$0x3FB5]  }
0x2d: {  	s3 =	simm.s32 $0x108;
	s8 =	sld [smem:$0x3FB6]  }
0x2e: {  	s3 =	simm.s32 @!p0 $0x1082;
	s9 =	sld [smem:$0x3FB7]  }
0x2f: {  	lr =	sadd.s32 s0, s3;
	s0 =	sld [smem:$0x3FAE]  }
0x30: {  	s3 =	sld [smem:$0x3FB1]  }
0x31: {  	[smem:$0x3FBA] =	sst s10  }
0x32: {  	s10 =	sld [smem:$0x3FB8];
	_ =	sdelay $0x3  }
0x33: {  	p0 =	seq.s32 s10, $0x1;
	s10 =	sld [smem:$0x3FBA];
	_ =	sdelay $0x3  }
0x34: {  	[smem:$0x3FBA] =	sst s10  }
0x35: {  	s10 =	sld [smem:$0x3FB9];
	_ =	sdelay $0x3  }
0x36: {  	p1 =	seq.s32 s10, $0x1;
	s10 =	sld [smem:$0x3FBA];
	_ =	sdelay $0x3  }
0x37: {  	[smem:$0x3FBA] =	sst s10  }
0x38: {  	s10 =	sld [smem:$0x3FBB]  }
0x39: {  	_ = 	snop;
	(pc) =	sbr.ind lr, $3  }
0x3a: {  	_ = 	snop  }
0x3b: {  	_ = 	snop  }
0x3c: {  	p2 =	seq.s32 s10, $0x1;
	s10 =	sld [smem:$0x3FBA]  }
0x3d: {  	_ =	shalt  }
0x3e: {  	_ =	shalt  }
0x3f: {  	_ =	shalt  }
0x40: {  	_ =	shalt  }
0x41: {  	_ =	shalt  }
0x42: {  	_ =	shalt  }
0x43: {  	_ =	shalt  }
0x44: {  	_ =	shalt  }
0x45: {  	_ =	shalt  }
0x46: {  	_ =	shalt  }
0x47: {  	_ =	shalt  }
0x48: {  	_ =	shalt  }
0x49: {  	_ =	shalt  }
0x4a: {  	_ =	shalt  }
0x4b: {  	_ =	shalt  }
0x4c: {  	_ =	shalt  }
0x4d: {  	_ =	shalt  }
0x4e: {  	_ =	shalt  }
0x4f: {  	_ =	shalt  }
0x50: {  	_ =	shalt  }
0x51: {  	_ =	shalt  }
0x52: {  	_ =	shalt  }
0x53: {  	_ =	shalt  }
0x54: {  	_ =	shalt  }
0x55: {  	_ =	shalt  }
0x56: {  	_ =	shalt  }
0x57: {  	_ =	shalt  }
0x58: {  	_ =	shalt  }
0x59: {  	_ =	shalt  }
0x5a: {  	_ =	shalt  }
0x5b: {  	_ =	shalt  }
0x5c: {  	_ =	shalt  }
0x5d: {  	_ =	shalt  }
0x5e: {  	_ =	shalt  }
0x5f: {  	_ =	shalt  }
0x60: {  	_ =	shalt  }
0x61: {  	_ =	shalt  }
0x62: {  	_ =	shalt  }
0x63: {  	_ =	shalt  }
0x64: {  	_ =	shalt  }
0x65: {  	_ =	shalt  }
0x66: {  	_ =	shalt  }
0x67: {  	_ =	shalt  }
0x68: {  	_ =	shalt  }
0x69: {  	_ =	shalt  }
0x6a: {  	_ =	shalt  }
0x6b: {  	_ =	shalt  }
0x6c: {  	_ =	shalt  }
0x6d: {  	_ =	shalt  }
0x6e: {  	_ =	shalt  }
0x6f: {  	_ =	shalt  }
0x70: {  	_ =	shalt  }
0x71: {  	_ =	shalt  }
0x72: {  	_ =	shalt  }
0x73: {  	_ =	shalt  }
0x74: {  	_ =	shalt  }
0x75: {  	_ =	shalt  }
0x76: {  	_ =	shalt  }
0x77: {  	_ =	shalt  }
0x78: {  	_ =	shalt  }
0x79: {  	_ =	shalt  }
0x7a: {  	_ =	shalt  }
0x7b: {  	_ =	shalt  }
0x7c: {  	_ =	shalt  }
0x7d: {  	_ =	shalt  }
0x7e: {  	_ =	shalt  }
0x7f: {  	_ =	shalt  }
0x80: {  	_ =	shalt  }
0x81: {  	_ =	shalt  }
0x82: {  	_ =	shalt  }
0x83: {  	_ =	shalt  }
0x84: {  	_ =	shalt  }
0x85: {  	_ =	shalt  }
0x86: {  	_ =	shalt  }
0x87: {  	_ =	shalt  }
.Lfunc_end0:
.L_simem_size_0:
called_computation.1_lowered:
.L_overlay_start_0:
0x88: {  	s2 =	sld [smem:$0x3FD9]  }
0x89: {  	s3 =	sld [smem:$0x3FFE];
	_ =	sdelay $0x1  }
0x8a: {  	s1 =	srdreg.scid  }
0x8b: {  	s0 =	sand.u32 $0x1, s1  }
0x8c: {  	s17 =	sshll.u32 s0, $0xA;
	s2 =	sadd.s32 s3, s2  }
0x8d: {  	s2 =	sadd.s32 s2, s17  }
0x8e: {  	[smem:$0x3FC6] =	sst s2  }
0x8f: {  	_ = 	snop  }
0x90: {  	s2 =	sld [smem:$0x3FD0];
	(tm) =	ssettm $0x1  }
0x91: {  	s18 =	sld [smem:$0x3FFB];
	_ =	sdelay $0x3  }
0x92: {  	_ =	strace s18  }
0x93: {  	s3 =	sld [smem:$0x3FFC];
	_ =	sdelay $0x3  }
0x94: {  	_ =	strace s3  }
0x95: {  	s3 =	sld [smem:$0x3FFD];
	_ =	sdelay $0x3  }
0x96: {  	_ =	strace s3  }
0x97: {  	_ =	strace $0x8FFFFFFF  }
0x98: {  	s19 =	sld [smem:$0x3FDB];
	_ =	sdelay $0x1  }
0x99: {  	s4 =	simm.s32 $_scs_section_size  }
0x9a: {  	s5 =	simm.s32 $_size__tile_overlayer_lowered;
	s6 =	simm.s32 $_tile_overlayer_lowered  }
0x9b: {  	s22 =	simm.s32 $0x1BFF;
	s21 =	sshll.u32 s6, $0x1;
	s3 =	sadd.s32 s4, s19  }
0x9c: {  	s7 =	simm.s32 $0x0;
	s20 =	sshll.u32 s5, $0x1;
	s5 =	sadd.s32 s21, s3  }
0x9d: {  	[timem:s7], [sflag:s22] =	dma.local [hbm:s5], s20  }
0x9e: {  	_ =	swait.ge [sflag:s22], s20  }
0x9f: {  	s4 =	ssub.s32 $0x0, s20;
	[sflag:s22] =	ssyncset.done $0x0  }
0xa0: {  	[sflag:s22] =	ssyncadd.s32 s4;
	_ =	sdelay $0x1  }
0xa1: {  	s23 =	simm.s32 $0x1B8B  }
0xa2: {  	_ =	swait.ge [sflag:s23], $0x1  }
0xa3: {  	[sflag:s23] =	ssyncset.done $0x0  }
0xa4: {  	s25 =	simm.s32 $0x1B8E;
	s24 =	sld [smem:$0x3FFE];
	[sflag:s23] =	ssyncadd.s32 $0xFFFFFFFF  }
0xa5: {  	s26 =	simm.s32 $execute0_lowered;
	[smem:$0x3FD2] =	sst s25  }
0xa6: {  	s5 =	sshll.u32 s26, $0x1;
	_ =	strace $0x80000046;
	[dreg:$0x1] =	wrdreg $0xFFFFFFFF  }
0xa7: {  	s28 =	simm.s32 $_size_execute0_lowered;
	s3 =	sadd.s32 s3, s5;
	[dreg:$0x0] =	wrdreg $0x0  }
0xa8: {  	s5 =	sshll.u32 s28, $0x1;
	[dreg:$0x2] =	wrdreg s3  }
0xa9: {  	[dreg:$0x3] =	wrdreg s5  }
0xaa: {  	[dreg:$0x4] =	wrdreg $0xC0  }
0xab: {  	_ =	task [dreg:s7], $0x5FFFF  }
0xac: {  	[dreg:$0x1] =	wrdreg $0xFFFFFFFF  }
0xad: {  	[dreg:$0x0] =	wrdreg $0x60  }
0xae: {  	[dreg:$0x2] =	wrdreg s24  }
0xaf: {  	[dreg:$0x3] =	wrdreg s2  }
0xb0: {  	[dreg:$0x4] =	wrdreg $0x9  }
0xb1: {  	_ =	task.clear_ibuf [dreg:s7], $0x5FFFF;
	_ =	strace $0x90000046  }
0xb2: {  	s29 =	simm.s32 $0x9;
	_ =	strace $0x80000048  }
0xb3: {  	_ =	swait.ge [sflag:s29], $0x1  }
0xb4: {  	[sflag:s29] =	ssyncadd.s32 $0xFFFFFFFF  }
0xb5: {  	_ =	strace $0x90000048  }
0xb6: {  	_ =	sfence  }
0xb7: {  	s30 =	sld [smem:$0x0];
	_ =	sdelay $0x2  }
0xb8: {  	s31 =	sshll.u32 s1, $0xD;
	s1 =	sshrl.u32 s1, $0x2  }
0xb9: {  	s3 =	sand.u32 $0x4000, s31;
	s1 =	sadd.s32 s1, s30  }
0xba: {  	s0 =	sor.u32 s3, s0;
	s1 =	sshll.u32 s1, $0x11  }
0xbb: {  	s0 =	sor.u32 s1, s0  }
0xbc: {  	s0 =	sadd.s32 $0x8F2B, s0  }
0xbd: {  	[sflag:s0] =	ssyncadd.remote.s32 $0x1  }
0xbe: {  	_ =	sfence.sel $0xFFFF  }
0xbf: {  	[dreg:$0x0] =	wrdreg $0xFFFFFFFF;
	(pc) =	sbr.abs _section_cstart, $3  }
0xc0: {  	[dreg:$0x1] =	wrdreg $0xFFFFFFFF  }
0xc1: {  	_ =	task.clear_ibuf [dreg:s7], $0x2FFFF;
	_ =	strace $0x9FFFFFFF  }
0xc2: {  	(tm) =	ssettm $0x7FFFFFFF  }
0xc3: {  	_ =	shalt  }
tec
execute0_lowered:
.L_overlay_start_1:
0x0: {  	(tag) =	ssettag $0x1  }
0x1: {  	s4 =	rddreg [dreg:$0x0]  }
0x2: {  	s6 =	rddreg [dreg:$0x1]  }
0x3: {  	s0 =	rddreg [dreg:$0x2]  }
0x4: {  	s1 =	stileid.u32;
	s2 =	simm.s32 $0x0;
	s3 =	srdreg.scid  }
0x5: {  	s11 =	simm.s32 $0x100;
	s12 =	simm.s32 $0x2400;
	s13 =	simm.s32 $0x180  }
0x6: {  	s14 =	simm.s32 $0x3400;
	s15 =	simm.s32 $0x200;
	s16 =	simm.s32 $0x4400  }
0x7: {  	s17 =	simm.s32 $0x280;
	s18 =	simm.s32 $0x5400;
	s19 =	simm.s32 $0x300  }
0x8: {  	s20 =	simm.s32 $0x6400;
	s21 =	simm.s32 $0x380;
	s22 =	simm.s32 $0x7400  }
0x9: {  	s23 =	simm.s32 $0x1;
	s24 =	simm.s32 $0x0;
	s5 =	smul.u32 $0x32000, s1  }
0xa: {  	[smem:$0x7FF] =	sst s2;
	s7 =	sand.u32 $0x1, s3;
	s8 =	smul.u32 $0xC800, s1  }
0xb: {  	s3 =	sadd.s32 $0x400800, s4;
	s9 =	smul.u32 $0x6400, s7;
	s10 =	ssub.s32 $0x2, s7  }
0xc: {  	_ =	strace $0x80000047;
	s7 =	smul.u32 $0x19000, s7;
	s31 =	sshrl.u32 s10, $0x1  }
0xd: {  	s4 =	sadd.s32 s5, s4;
	s8 =	sadd.s32 s9, s8;
	s5 =	ssub.s32 s10, s31  }
0xe: {  	s7 =	sadd.s32 s7, s4;
	s9 =	simm.s32 $0x400;
	s10 =	simm.s32 $0x1400  }
0xf: {  	s8 =	sshrl.u32 s8, $0x3;
	s4 =	smax.u32 s5, $0x1;
	s5 =	sadd.s32 $0x800, s7  }
0x10: {  	s7 =	simm.s32 $0x2;
	s6 =	sadd.s32 s8, s6;
	s8 =	simm.s32 $0x80  }
.LBB2_1:
0x11: {  	s25 =	sadd.s32 $0x0, s6  }
0x12: {  	[tilespmem:s2], [sflag:$0x2] =	stream.linear.gather [hbm4b:s25+s2], $0x400, $0x38;
	[tilespmem:$0x8400] =	vst v63  }
0x13: {  	_ =	swait.ge [sflag:s7], $0x400  }
0x14: {  	[sflag:s7] =	ssyncset.done $0x0  }
0x15: {  	[sflag:s7] =	ssyncadd.s32 $0xFFFFFC00  }
0x16: {  	[tilespmem:s9], [sflag:$0x1] =	stream.indirect.gather [hbm4b:s3+s8], $0x20, s2, s8, $0xb8;
	[tilespmem:$0x8400] =	vst v63  }
0x17: {  	_ = 	snop  }
0x18: {  	[tilespmem:s10], [sflag:$0x1] =	stream.indirect.gather [hbm4b:s3+s8], $0x20, s8, s8, $0xb8;
	[tilespmem:$0x8400] =	vst v63  }
0x19: {  	_ = 	snop  }
0x1a: {  	[tilespmem:s12], [sflag:$0x1] =	stream.indirect.gather [hbm4b:s3+s8], $0x20, s11, s8, $0xb8;
	[tilespmem:$0x8400] =	vst v63  }
0x1b: {  	_ = 	snop  }
0x1c: {  	[tilespmem:s14], [sflag:$0x1] =	stream.indirect.gather [hbm4b:s3+s8], $0x20, s13, s8, $0xb8;
	[tilespmem:$0x8400] =	vst v63  }
0x1d: {  	_ = 	snop  }
0x1e: {  	[tilespmem:s16], [sflag:$0x1] =	stream.indirect.gather [hbm4b:s3+s8], $0x20, s15, s8, $0xb8;
	[tilespmem:$0x8400] =	vst v63  }
0x1f: {  	_ = 	snop  }
0x20: {  	[tilespmem:s18], [sflag:$0x1] =	stream.indirect.gather [hbm4b:s3+s8], $0x20, s17, s8, $0xb8;
	[tilespmem:$0x8400] =	vst v63  }
0x21: {  	_ = 	snop  }
0x22: {  	[tilespmem:s20], [sflag:$0x1] =	stream.indirect.gather [hbm4b:s3+s8], $0x20, s19, s8, $0xb8;
	[tilespmem:$0x8400] =	vst v63  }
0x23: {  	_ = 	snop  }
0x24: {  	[tilespmem:s22], [sflag:$0x1] =	stream.indirect.gather [hbm4b:s3+s8], $0x20, s21, s8, $0xb8;
	[tilespmem:$0x8400] =	vst v63  }
0x25: {  	_ =	swait.ge [sflag:s23], $0x1000  }
0x26: {  	[sflag:s23] =	ssyncset.done $0x0  }
0x27: {  	[sflag:s23] =	ssyncadd.s32 $0xFFFFF000  }
0x28: {  	_ =	swait.ge [sflag:s23], $0x1000  }
0x29: {  	[sflag:s23] =	ssyncset.done $0x0  }
0x2a: {  	[sflag:s23] =	ssyncadd.s32 $0xFFFFF000  }
0x2b: {  	_ =	swait.ge [sflag:s23], $0x1000  }
0x2c: {  	[sflag:s23] =	ssyncset.done $0x0  }
0x2d: {  	[sflag:s23] =	ssyncadd.s32 $0xFFFFF000  }
0x2e: {  	_ =	swait.ge [sflag:s23], $0x1000  }
0x2f: {  	[sflag:s23] =	ssyncset.done $0x0  }
0x30: {  	[sflag:s23] =	ssyncadd.s32 $0xFFFFF000  }
0x31: {  	_ =	swait.ge [sflag:s23], $0x1000  }
0x32: {  	[sflag:s23] =	ssyncset.done $0x0  }
0x33: {  	[sflag:s23] =	ssyncadd.s32 $0xFFFFF000  }
0x34: {  	_ =	swait.ge [sflag:s23], $0x1000  }
0x35: {  	[sflag:s23] =	ssyncset.done $0x0  }
0x36: {  	[sflag:s23] =	ssyncadd.s32 $0xFFFFF000  }
0x37: {  	_ =	swait.ge [sflag:s23], $0x1000  }
0x38: {  	[sflag:s23] =	ssyncset.done $0x0  }
0x39: {  	[sflag:s23] =	ssyncadd.s32 $0xFFFFF000  }
0x3a: {  	_ =	swait.ge [sflag:s23], $0x1000  }
0x3b: {  	[sflag:s23] =	ssyncset.done $0x0  }
0x3c: {  	[sflag:s23] =	ssyncadd.s32 $0xFFFFF000  }
0x3d: {  	[hbm4b:s5+s2] =	stream.linear.scatter [tilespmem:s9], [sflag:$0x2], $0x8000, $0x38;
	[tilespmem:$0x8400] =	vst v63  }
0x3e: {  	s26 =	simm.s32 $0x80;
	_ =	swait.ge [sflag:s7], $0x8000  }
0x3f: {  	s29 =	simm.s32 $0x100;
	s25 =	sadd.s32 $0x1000, s5;
	[sflag:s7] =	ssyncset.done $0x0  }
.LBB2_2:
0x40: {  	s30 =	sadd.s32 s26, s6  }
0x41: {  	[sflag:s7] =	ssyncadd.s32 $0xFFFF8000;
	s26 =	smov.u32 s29;
	s28 =	sadd.s32 $0x80, s29  }
0x42: {  	[tilespmem:s2], [sflag:$0x2] =	stream.linear.gather [hbm4b:s30+s2], $0x400, $0x38;
	[tilespmem:$0x8400] =	vst v63  }
0x43: {  	p0 =	sne.s32 s29, $0xC00;
	_ =	swait.ge [sflag:s7], $0x400  }
0x44: {  	[sflag:s7] =	ssyncset.done $0x0  }
0x45: {  	[sflag:s7] =	ssyncadd.s32 $0xFFFFFC00  }
0x46: {  	[tilespmem:s9], [sflag:$0x1] =	stream.indirect.gather [hbm4b:s3+s8], $0x20, s2, s8, $0xb8;
	[tilespmem:$0x8400] =	vst v63  }
0x47: {  	_ = 	snop  }
0x48: {  	[tilespmem:s10], [sflag:$0x1] =	stream.indirect.gather [hbm4b:s3+s8], $0x20, s8, s8, $0xb8;
	[tilespmem:$0x8400] =	vst v63  }
0x49: {  	_ = 	snop  }
0x4a: {  	[tilespmem:s12], [sflag:$0x1] =	stream.indirect.gather [hbm4b:s3+s8], $0x20, s11, s8, $0xb8;
	[tilespmem:$0x8400] =	vst v63  }
0x4b: {  	_ = 	snop  }
0x4c: {  	[tilespmem:s14], [sflag:$0x1] =	stream.indirect.gather [hbm4b:s3+s8], $0x20, s13, s8, $0xb8;
	[tilespmem:$0x8400] =	vst v63  }
0x4d: {  	_ = 	snop  }
0x4e: {  	[tilespmem:s16], [sflag:$0x1] =	stream.indirect.gather [hbm4b:s3+s8], $0x20, s15, s8, $0xb8;
	[tilespmem:$0x8400] =	vst v63  }
0x4f: {  	_ = 	snop  }
0x50: {  	[tilespmem:s18], [sflag:$0x1] =	stream.indirect.gather [hbm4b:s3+s8], $0x20, s17, s8, $0xb8;
	[tilespmem:$0x8400] =	vst v63  }
0x51: {  	_ = 	snop  }
0x52: {  	[tilespmem:s20], [sflag:$0x1] =	stream.indirect.gather [hbm4b:s3+s8], $0x20, s19, s8, $0xb8;
	[tilespmem:$0x8400] =	vst v63  }
0x53: {  	_ = 	snop  }
0x54: {  	[tilespmem:s22], [sflag:$0x1] =	stream.indirect.gather [hbm4b:s3+s8], $0x20, s21, s8, $0xb8;
	[tilespmem:$0x8400] =	vst v63  }
0x55: {  	_ =	swait.ge [sflag:s23], $0x1000  }
0x56: {  	[sflag:s23] =	ssyncset.done $0x0  }
0x57: {  	[sflag:s23] =	ssyncadd.s32 $0xFFFFF000  }
0x58: {  	_ =	swait.ge [sflag:s23], $0x1000  }
0x59: {  	[sflag:s23] =	ssyncset.done $0x0  }
0x5a: {  	[sflag:s23] =	ssyncadd.s32 $0xFFFFF000  }
0x5b: {  	_ =	swait.ge [sflag:s23], $0x1000  }
0x5c: {  	[sflag:s23] =	ssyncset.done $0x0  }
0x5d: {  	[sflag:s23] =	ssyncadd.s32 $0xFFFFF000  }
0x5e: {  	_ =	swait.ge [sflag:s23], $0x1000  }
0x5f: {  	[sflag:s23] =	ssyncset.done $0x0  }
0x60: {  	[sflag:s23] =	ssyncadd.s32 $0xFFFFF000  }
0x61: {  	_ =	swait.ge [sflag:s23], $0x1000  }
0x62: {  	[sflag:s23] =	ssyncset.done $0x0  }
0x63: {  	[sflag:s23] =	ssyncadd.s32 $0xFFFFF000  }
0x64: {  	_ =	swait.ge [sflag:s23], $0x1000  }
0x65: {  	[sflag:s23] =	ssyncset.done $0x0  }
0x66: {  	[sflag:s23] =	ssyncadd.s32 $0xFFFFF000  }
0x67: {  	_ =	swait.ge [sflag:s23], $0x1000  }
0x68: {  	[sflag:s23] =	ssyncset.done $0x0  }
0x69: {  	[sflag:s23] =	ssyncadd.s32 $0xFFFFF000  }
0x6a: {  	_ =	swait.ge [sflag:s23], $0x1000  }
.Ltmp0:
0x6b: {  	[sflag:s23] =	ssyncset.done $0x0;
	(pc) =	sbr.rel @p0 .LBB2_2-.Ltmp0, $4  }
0x6c: {  	[sflag:s23] =	ssyncadd.s32 $0xFFFFF000  }
0x6d: {  	[hbm4b:s25+s2] =	stream.linear.scatter [tilespmem:s9], [sflag:$0x2], $0x8000, $0x38;
	[tilespmem:$0x8400] =	vst v63  }
0x6e: {  	_ =	swait.ge [sflag:s7], $0x8000  }
0x6f: {  	s29 =	smov.u32 s28;
	s25 =	sadd.s32 $0x1000, s25;
	[sflag:s7] =	ssyncset.done $0x0  }
0x70: {  	s26 =	sadd.s32 s26, s6;
	[sflag:s7] =	ssyncadd.s32 $0xFFFF8000  }
0x71: {  	[tilespmem:s2], [sflag:$0x2] =	stream.linear.gather [hbm4b:s26+s2], $0x400, $0x38;
	[tilespmem:$0x8400] =	vst v63  }
0x72: {  	_ =	swait.ge [sflag:s7], $0x400  }
0x73: {  	[sflag:s7] =	ssyncset.done $0x0  }
0x74: {  	[sflag:s7] =	ssyncadd.s32 $0xFFFFFC00  }
0x75: {  	[tilespmem:s9], [sflag:$0x1] =	stream.indirect.gather [hbm4b:s3+s8], $0x20, s2, s8, $0xb8;
	[tilespmem:$0x8400] =	vst v63  }
0x76: {  	_ = 	snop  }
0x77: {  	[tilespmem:s10], [sflag:$0x1] =	stream.indirect.gather [hbm4b:s3+s8], $0x20, s8, s8, $0xb8;
	[tilespmem:$0x8400] =	vst v63  }
0x78: {  	_ = 	snop  }
0x79: {  	[tilespmem:s12], [sflag:$0x1] =	stream.indirect.gather [hbm4b:s3+s8], $0x20, s11, s8, $0xb8;
	[tilespmem:$0x8400] =	vst v63  }
0x7a: {  	_ = 	snop  }
0x7b: {  	[tilespmem:s14], [sflag:$0x1] =	stream.indirect.gather [hbm4b:s3+s8], $0x20, s13, s8, $0xb8;
	[tilespmem:$0x8400] =	vst v63  }
0x7c: {  	_ = 	snop  }
0x7d: {  	[tilespmem:s16], [sflag:$0x1] =	stream.indirect.gather [hbm4b:s3+s8], $0x20, s15, s8, $0xb8;
	[tilespmem:$0x8400] =	vst v63  }
0x7e: {  	_ = 	snop  }
0x7f: {  	[tilespmem:s18], [sflag:$0x1] =	stream.indirect.gather [hbm4b:s3+s8], $0x20, s17, s8, $0xb8;
	[tilespmem:$0x8400] =	vst v63  }
0x80: {  	_ = 	snop  }
0x81: {  	[tilespmem:s20], [sflag:$0x1] =	stream.indirect.gather [hbm4b:s3+s8], $0x20, s19, s8, $0xb8;
	[tilespmem:$0x8400] =	vst v63  }
0x82: {  	_ = 	snop  }
0x83: {  	[tilespmem:s22], [sflag:$0x1] =	stream.indirect.gather [hbm4b:s3+s8], $0x20, s21, s8, $0xb8;
	[tilespmem:$0x8400] =	vst v63  }
0x84: {  	_ =	swait.ge [sflag:s23], $0x1000  }
0x85: {  	[sflag:s23] =	ssyncset.done $0x0  }
0x86: {  	[sflag:s23] =	ssyncadd.s32 $0xFFFFF000  }
0x87: {  	_ =	swait.ge [sflag:s23], $0x1000  }
0x88: {  	[sflag:s23] =	ssyncset.done $0x0  }
0x89: {  	[sflag:s23] =	ssyncadd.s32 $0xFFFFF000  }
0x8a: {  	_ =	swait.ge [sflag:s23], $0x1000  }
0x8b: {  	[sflag:s23] =	ssyncset.done $0x0  }
0x8c: {  	[sflag:s23] =	ssyncadd.s32 $0xFFFFF000  }
0x8d: {  	_ =	swait.ge [sflag:s23], $0x1000  }
0x8e: {  	[sflag:s23] =	ssyncset.done $0x0  }
0x8f: {  	[sflag:s23] =	ssyncadd.s32 $0xFFFFF000  }
0x90: {  	_ =	swait.ge [sflag:s23], $0x1000  }
0x91: {  	[sflag:s23] =	ssyncset.done $0x0  }
0x92: {  	[sflag:s23] =	ssyncadd.s32 $0xFFFFF000  }
0x93: {  	_ =	swait.ge [sflag:s23], $0x1000  }
0x94: {  	[sflag:s23] =	ssyncset.done $0x0  }
0x95: {  	[sflag:s23] =	ssyncadd.s32 $0xFFFFF000  }
0x96: {  	_ =	swait.ge [sflag:s23], $0x1000  }
0x97: {  	[sflag:s23] =	ssyncset.done $0x0  }
0x98: {  	[sflag:s23] =	ssyncadd.s32 $0xFFFFF000  }
0x99: {  	s24 =	sadd.s32 $0x1, s24;
	_ =	swait.ge [sflag:s23], $0x1000  }
0x9a: {  	p0 =	sne.s32 s24, s4;
	[sflag:s23] =	ssyncset.done $0x0  }
.Ltmp1:
0x9b: {  	[sflag:s23] =	ssyncadd.s32 $0xFFFFF000;
	(pc) =	sbr.rel @p0 .LBB2_1-.Ltmp1, $4  }
0x9c: {  	[hbm4b:s25+s2] =	stream.linear.scatter [tilespmem:s9], [sflag:$0x2], $0x8000, $0x38;
	[tilespmem:$0x8400] =	vst v63  }
0x9d: {  	_ =	swait.ge [sflag:s7], $0x8000  }
0x9e: {  	[sflag:s7] =	ssyncset.done $0x0  }
0x9f: {  	[sflag:s7] =	ssyncadd.s32 $0xFFFF8000  }
0xa0: {  	_ =	sfence.sel $0x180000  }
0xa1: {  	[bflag:$0x0] =	sbarrier.arrive $0xFFFF  }
0xa2: {  	p0 =	sne.s32 s1, $0x0;
	_ =	strace $0x90000047  }
0xa3: {  	s0 =	sadd.s32 @!p0 $0x100000, s0;
	[bflag:$0x2] =	sbarrier.arrive $0xFFFF  }
0xa4: {  	[sflag:s0] =	ssyncadd.tile.s32 @!p0 $0x1;
	_ =	shalt  }
.Lfunc_end2:
_tile_overlayer_lowered:
.L_overlay_start_2:
0xa5: {  	(tag) =	ssettag $0x2  }
0xa6: {  	s0 =	rddreg [dreg:$0x0];
	s2 =	stileid.u32  }
0xa7: {  	s1 =	rddreg [dreg:$0x1];
	p0 =	sne.s32 s2, $0x0  }
0xa8: {  	s3 =	rddreg [dreg:$0x2];
	[bflag:$0x3] =	sbarrier.arrive $0xFFFF;
	s2 =	simm.s32 @!p0 $0x1C02  }
0xa9: {  	[timem:s3], [sflag:s2] =	dma.local @!p0 [hbm:s0], s1  }
0xaa: {  	s0 =	simm.s32 @!p0 $0x2  }
0xab: {  	_ =	swait.ge @!p0 [sflag:s0], s1  }
0xac: {  	s1 =	ssub.s32 @!p0 $0x0, s1;
	[sflag:s0] =	ssyncset.done @!p0 $0x0  }
0xad: {  	[sflag:s0] =	ssyncadd.s32 @!p0 s1  }
0xae: {  	[bflag:$0x3] =	sbarrier.arrive $0xFFFF  }
0xaf: {  	_ =	shalt  }

// kernel: sparse-core-data-format-call.cloned.1.call-start
scs
called_computation_lowered:
.L_overlay_start_0:
0x0: {  	s2 =	sld [smem:$0x3FD9]  }
0x1: {  	s3 =	sld [smem:$0x3FFE];
	_ =	sdelay $0x1  }
0x2: {  	s1 =	srdreg.scid  }
0x3: {  	s0 =	sand.u32 $0x1, s1  }
0x4: {  	s18 =	sshll.u32 s0, $0xA;
	s2 =	sadd.s32 s3, s2  }
0x5: {  	s2 =	sadd.s32 s2, s18  }
0x6: {  	[smem:$0x3FC6] =	sst s2  }
0x7: {  	_ = 	snop  }
0x8: {  	s2 =	sld [smem:$0x3FD0];
	(tm) =	ssettm $0x1  }
0x9: {  	s19 =	sld [smem:$0x3FFB];
	_ =	sdelay $0x3  }
0xa: {  	_ =	strace s19  }
0xb: {  	s3 =	sld [smem:$0x3FFC];
	_ =	sdelay $0x3  }
0xc: {  	_ =	strace s3  }
0xd: {  	s3 =	sld [smem:$0x3FFD];
	_ =	sdelay $0x3  }
0xe: {  	_ =	strace s3  }
0xf: {  	_ =	strace $0x8FFFFFFF  }
0x10: {  	s20 =	sld [smem:$0x3FDB];
	_ =	sdelay $0x1  }
0x11: {  	s4 =	simm.s32 $_scs_section_size  }
0x12: {  	s5 =	simm.s32 $_size__tile_overlayer_lowered;
	s6 =	simm.s32 $_tile_overlayer_lowered  }
0x13: {  	s23 =	simm.s32 $0x1BFF;
	s22 =	sshll.u32 s6, $0x1;
	s3 =	sadd.s32 s4, s20  }
0x14: {  	s7 =	simm.s32 $0x0;
	s21 =	sshll.u32 s5, $0x1;
	s5 =	sadd.s32 s22, s3  }
0x15: {  	[timem:s7], [sflag:s23] =	dma.local [hbm:s5], s21  }
0x16: {  	_ =	swait.ge [sflag:s23], s21  }
0x17: {  	s4 =	ssub.s32 $0x0, s21;
	[sflag:s23] =	ssyncset.done $0x0  }
0x18: {  	[sflag:s23] =	ssyncadd.s32 s4;
	_ =	sdelay $0x1  }
0x19: {  	s24 =	simm.s32 $0x1B8B  }
0x1a: {  	_ =	swait.ge [sflag:s24], $0x1  }
0x1b: {  	[sflag:s24] =	ssyncset.done $0x0  }
0x1c: {  	s26 =	simm.s32 $0x1B8E;
	s25 =	sld [smem:$0x3FFE];
	[sflag:s24] =	ssyncadd.s32 $0xFFFFFFFF  }
0x1d: {  	s27 =	simm.s32 $execute0_lowered;
	[smem:$0x3FD2] =	sst s26  }
0x1e: {  	s5 =	sshll.u32 s27, $0x1;
	_ =	strace $0x80000049;
	[dreg:$0x1] =	wrdreg $0xFFFFFFFF  }
0x1f: {  	s28 =	simm.s32 $_size_execute0_lowered;
	s3 =	sadd.s32 s3, s5;
	[dreg:$0x0] =	wrdreg $0x0  }
0x20: {  	s5 =	sshll.u32 s28, $0x1;
	[dreg:$0x2] =	wrdreg s3  }
0x21: {  	[dreg:$0x3] =	wrdreg s5  }
0x22: {  	[dreg:$0x4] =	wrdreg $0xC0  }
0x23: {  	_ =	task [dreg:s7], $0x5FFFF  }
0x24: {  	[dreg:$0x1] =	wrdreg $0xFFFFFFFF  }
0x25: {  	[dreg:$0x0] =	wrdreg $0x60  }
0x26: {  	[dreg:$0x2] =	wrdreg s25  }
0x27: {  	[dreg:$0x3] =	wrdreg s2  }
0x28: {  	[dreg:$0x4] =	wrdreg $0x9  }
0x29: {  	_ =	task.clear_ibuf [dreg:s7], $0x5FFFF;
	_ =	strace $0x90000049  }
0x2a: {  	s29 =	simm.s32 $0x9;
	_ =	strace $0x8000004B  }
0x2b: {  	_ =	swait.ge [sflag:s29], $0x1  }
0x2c: {  	[sflag:s29] =	ssyncadd.s32 $0xFFFFFFFF  }
0x2d: {  	_ =	strace $0x9000004B  }
0x2e: {  	_ =	sfence  }
0x2f: {  	s30 =	sld [smem:$0x0];
	_ =	sdelay $0x2  }
0x30: {  	s31 =	sshll.u32 s1, $0xD;
	s1 =	sshrl.u32 s1, $0x2  }
0x31: {  	s3 =	sand.u32 $0x4000, s31;
	s1 =	sadd.s32 s1, s30  }
0x32: {  	s0 =	sor.u32 s3, s0;
	s1 =	sshll.u32 s1, $0x11  }
0x33: {  	s0 =	sor.u32 s1, s0  }
0x34: {  	s0 =	sadd.s32 $0x8F2B, s0  }
0x35: {  	[sflag:s0] =	ssyncadd.remote.s32 $0x1  }
0x36: {  	_ =	sfence.sel $0xFFFF  }
0x37: {  	[dreg:$0x0] =	wrdreg $0xFFFFFFFF;
	(pc) =	sbr.abs _section_cstart, $3  }
0x38: {  	[dreg:$0x1] =	wrdreg $0xFFFFFFFF  }
0x39: {  	_ =	task.clear_ibuf [dreg:s7], $0x2FFFF;
	_ =	strace $0x9FFFFFFF  }
0x3a: {  	(tm) =	ssettm $0x7FFFFFFF  }
0x3b: {  	_ =	shalt  }
tec
execute0_lowered:
.L_overlay_start_1:
0x0: {  	(tag) =	ssettag $0x1  }
0x1: {  	s0 =	srdreg.scid  }
0x2: {  	s1 =	sshll.u32 s0, $0x4  }
0x3: {  	s0 =	stileid.u32;
	s1 =	sand.u32 $0x10, s1  }
0x4: {  	s1 =	sor.u32 s0, s1  }
0x5: {  	s6 =	rddreg [dreg:$0x0];
	s4 =	simm.s32 $0x1;
	s2 =	sshll.u32 s1, $0x7  }
0x6: {  	s7 =	simm.s32 $0x2;
	s13 =	simm.s32 $0x0;
	s1 =	ssub.s32 $0x4000, s2  }
0x7: {  	s8 =	simm.s32 $0x10000;
	s12 =	simm.s32 $0x0;
	s3 =	sand.u32 $0xF80, s1  }
0x8: {  	s9 =	simm.s32 $0x0;
	s5 =	sshrl.u32 s1, $0xC;
	p0 =	sne.s32 s3, $0x0  }
.Ltmp0:
0x9: {  	s1 =	rddreg [dreg:$0x2];
	s4 =	simm.s32 @!p0 $0x0;
	(pc) =	sbr.rel .LBB1_1-.Ltmp0, $4  }
0xa: {  	s11 =	simm.s32 $0x0;
	s3 =	rddreg [dreg:$0x1];
	s5 =	sadd.s32 s4, s5  }
0xb: {  	_ =	strace $0x8000004A;
	s4 =	simm.s32 $0x1;
	s5 =	smul.u32 $0x19, s5  }
0xc: {  	s6 =	sadd.s32 $0x190800, s6;
	s10 =	smov.u32 s2;
	[sflag:s4] =	ssyncpa.u1 $0x0  }
0xd: {  	p0 =	por $0x0, $0x0;
	[sflag:s7] =	ssyncpa.u1 $0x0;
	s7 =	sadd.s32 $0x1, s5  }
.LBB1_4:
0xe: {  	v1 =	vperm.xlane.i2c.b16 v1;
	v0 =	vperm.xlane.i2c.b16 v0;
	s16 =	sshra.s32 s16, $0x2;
	s17 =	sshll.u32 s12, $0x3;
	s18 =	sshll.u32 s12, $0x1  }
0xf: {  	s13 =	sshll.u32 s13, $0xF;
	s30 =	sshrl.u32 s12, $0x1;
	s31 =	sand.u32 $0x7, s12  }
0x10: {  	s15 =	sadd.s32 s16, s15;
	s29 =	sand.u32 $0xF0, s18;
	s17 =	sand.u32 $0x3C00, s17;
	v2 =	vcombine.low v0, v1  }
0x11: {  	s13 =	sadd.s32 s3, s13;
	s16 =	sor.u32 s29, s17;
	v0 =	vcombine.high v0, v1;
	s17 =	sand.u32 $0x7C00, s30  }
0x12: {  	s12 =	sshll.u32 s31, $0x12;
	s13 =	sadd.s32 s17, s13;
	s16 =	sshrl.u32 s16, $0x4;
	[tilespmem:s15+$0x0 ss:$0x81] =	vst.msk $0xffff, v2  }
0x13: {  	s12 =	sor.u32 $0x200, s12;
	s13 =	sadd.s32 s16, s13;
	[tilespmem:s15+$0x810 ss:$0x81] =	vst.msk $0xffff, v0  }
0x14: {  	[hbm4b:s13+s12] =	stream.strided.scatter [tilespmem:s14], [sflag:$0x2], $0x1000, s8, s12, $0x20;
	[tilespmem:$0x4040] =	vst v63  }
.LBB1_5:
0x15: {  	s14 =	sadd.s32 $0x2, s9  }
0x16: {  	s12 =	sadd.s32 $0x1000, s10;
	s16 =	smov.u32 s10;
	p2 =	sgt.s32 s14, $0x31  }
0x17: {  	s16 =	smov.u32 @p2 s12  }
0x18: {  	s14 =	simm.s32 @p2 $0x0;
	p2 =	sgt.s32 s16, $0x3FFF  }
0x19: {  	s16 =	smov.u32 @p2 s2;
	p2 =	sne.s32 s11, s7  }
.Ltmp1:
0x1a: {  	p1 =	slt.u32 s11, $0x2;
	(pc) =	sbr.rel @!p2 .LBB1_6-.Ltmp1, $4  }
0x1b: {  	s15 =	simm.s32 @!p1 $0x2  }
0x1c: {  	s13 =	smov.u32 s9;
	p0 =	por !p0, !p0;
	_ =	swait.ge @!p1 [sflag:s15], $0x1000  }
0x1d: {  	s12 =	smov.u32 s10;
	[sflag:s15] =	ssyncset.done @!p1 $0x0;
	s9 =	smov.u32 s14  }
0x1e: {  	s11 =	sadd.s32 $0x1, s11;
	[sflag:s15] =	ssyncadd.s32 @!p1 $0xFFFFF000;
	s10 =	smov.u32 s16  }
.LBB1_1:
0x1f: {  	p1 =	sge.u32 s11, s5  }
0x20: {  	s14 =	sand.u32 @!p1 $0x1FFFFFE, s9  }
0x21: {  	s15 =	smulhi.u32 @!p1 $0x4924925, s14;
	_ =	sdelay $0x1  }
0x22: {  	s15 =	smul.u32 @!p1 $0x38, s15  }
0x23: {  	s31 =	sadd.s32 $0xFFFFFFFF, s11;
	s16 =	smul.u32 @!p1 $0x1C0, s10  }
0x24: {  	s17 =	simm.s32 @!p1 $0xE00;
	s14 =	ssub.s32 @!p1 s14, s15;
	s15 =	sxor.u32 @!p1 $0xFFFFFFFF, s11  }
0x25: {  	s16 =	sadd.s32 @!p1 s6, s16;
	s14 =	sshll.u32 @!p1 s14, $0x3;
	s15 =	sshll.u32 @!p1 s15, $0xC  }
0x26: {  	s14 =	sadd.s32 @!p1 s14, s16;
	s15 =	sand.u32 @!p1 $0x1000, s15;
	s16 =	simm.s32 @!p1 $0x20  }
0x27: {  	[tilespmem:s15], [sflag:$0x1] =	stream.strided.gather @!p1 [hbm4b:s14+s16], $0x1000, s17, s16, $0x38;
	[tilespmem:$0x4040] =	vst v63  }
0x28: {  	p1 =	sge.u32 s31, s5  }
.Ltmp2:
0x29: {  	_ = 	snop;
	(pc) =	sbr.rel @p1 .LBB1_5-.Ltmp2, $1  }
0x2a: {  	_ =	sdelay $0x3  }
0x2b: {  	s14 =	simm.s32 $0x1  }
0x2c: {  	_ =	swait.ge [sflag:s4], $0x1000;
	s14 =	simm.s32 @!p0 $0x0  }
0x2d: {  	[sflag:s4] =	ssyncset.done $0x0;
	s15 =	smul.u32 $0x4080, s14;
	s14 =	sshll.u32 s14, $0xC  }
0x2e: {  	[sflag:s4] =	ssyncadd.s32 $0xFFFFF000;
	s18 =	sor.u32 $0x10, s14  }
0x2f: {  	v0 =	vld [tilespmem:s18+$0xFFFFFFF0]  }
0x30: {  	s16 =	sand.u32 $0x1, s11;
	v1 =	vld [tilespmem:s18+$0x0]  }
0x31: {  	s16 =	smul.u32 $0x4080, s16  }
0x32: {  	s17 =	simm.s32 $0x4  }
0x33: {  	s31 =	sshrl.u32 s16, $0x2;
	s16 =	simm.s32 $0x0;
	s15 =	sshrl.u32 s15, $0x2  }
0x34: {  	s14 =	sor.u32 $0x2000, s31;
	s18 =	sadd.s32 $0x20, s18;
	s15 =	sor.u32 $0x2000, s15  }
.LBB1_3:
0x35: {  	v2 =	vperm.xlane.i2c.b16 v1;
	v3 =	vperm.xlane.i2c.b16 v0;
	v0 =	vld [tilespmem:s18+$0xFFFFFFF0];
	s19 =	smov.u32 s17;
	p1 =	sne.s32 s17, $0x1FC  }
.Ltmp3:
0x36: {  	v1 =	vld [tilespmem:s18+$0x0];
	(pc) =	sbr.rel @p1 .LBB1_3-.Ltmp3, $4  }
0x37: {  	s17 =	sadd.s32 $0x4, s17;
	s16 =	sshra.s32 s16, $0x2;
	v4 =	vcombine.low v3, v2  }
0x38: {  	s20 =	sadd.s32 s16, s15;
	s16 =	smov.u32 s19;
	v2 =	vcombine.high v3, v2  }
0x39: {  	[tilespmem:s20+$0x0 ss:$0x81] =	vst.msk $0xffff, v4  }
0x3a: {  	s18 =	sadd.s32 $0x20, s18;
	[tilespmem:s20+$0x810 ss:$0x81] =	vst.msk $0xffff, v2  }
.Ltmp4:
0x3b: {  	_ = 	snop;
	(pc) =	sbr.rel .LBB1_4-.Ltmp4, $1  }
0x3c: {  	_ =	sdelay $0x3  }
.LBB1_6:
0x3d: {  	_ =	sfence.sel $0x180000  }
0x3e: {  	s2 =	simm.s32 $0x1;
	[bflag:$0x0] =	sbarrier.arrive $0xFFFF  }
0x3f: {  	s31 =	simm.s32 $0x2;
	[sflag:s2] =	ssyncpa.u1 $0x1  }
0x40: {  	[sflag:s31] =	ssyncpa.u1 $0x1  }
0x41: {  	p0 =	sne.s32 s0, $0x0;
	_ =	strace $0x9000004A  }
0x42: {  	s0 =	sadd.s32 @!p0 $0x100000, s1;
	[bflag:$0x2] =	sbarrier.arrive $0xFFFF  }
0x43: {  	[sflag:s0] =	ssyncadd.tile.s32 @!p0 $0x1;
	_ =	shalt  }
.Lfunc_end1:
_tile_overlayer_lowered:
.L_overlay_start_2:
0x44: {  	(tag) =	ssettag $0x2  }
0x45: {  	s0 =	rddreg [dreg:$0x0];
	s2 =	stileid.u32  }
0x46: {  	s1 =	rddreg [dreg:$0x1];
	p0 =	sne.s32 s2, $0x0  }
0x47: {  	s3 =	rddreg [dreg:$0x2];
	[bflag:$0x3] =	sbarrier.arrive $0xFFFF;
	s2 =	simm.s32 @!p0 $0x1C01  }
0x48: {  	[timem:s3], [sflag:s2] =	dma.local @!p0 [hbm:s0], s1  }
0x49: {  	s0 =	simm.s32 @!p0 $0x1  }
0x4a: {  	_ =	swait.ge @!p0 [sflag:s0], s1  }
0x4b: {  	s1 =	ssub.s32 @!p0 $0x0, s1;
	[sflag:s0] =	ssyncset.done @!p0 $0x0  }
0x4c: {  	[sflag:s0] =	ssyncadd.s32 @!p0 s1  }
0x4d: {  	[bflag:$0x3] =	sbarrier.arrive $0xFFFF  }
0x4e: {  	_ =	shalt  }

</sc_bundles>
